<compile_context>
chip_gen: v7x
topology: tpu7x:2x2x1
jax: 0.10.2.dev20260603
libtpu: 0.0.44.dev20260713+nightly
codegen_flags: <defaults>
</compile_context>

<pallas_src>
import functools

import jax
import jax.numpy as jnp
from jax import lax
from jax.experimental import pallas as pl
from jax.experimental.pallas import tpu as pltpu
from jax.experimental.pallas import tpu_sc as plsc

_NC = 2
_NS = 16
_NW = _NC * _NS
_CHUNK = 128
_K = 2
_SLOTS = 4
_LANES = 128


@functools.lru_cache(maxsize=None)
def _make_gather(n, d, nchunk):
    per_w = n // _NW
    ngroups = nchunk // _K
    assert nchunk % _K == 0 and (ngroups - 4) % 4 == 0 and ngroups >= 8
    mesh = plsc.VectorSubcoreMesh(core_axis_name="c", subcore_axis_name="s")

    def body(idx_hbm, table_hbm, out_hbm, idx_v, rows_v,
             g0, g1, g2, g3, o0, o1, o2, o3):
        gsems = (g0, g1, g2, g3)
        osems = (o0, o1, o2, o3)
        wid = lax.axis_index("s") * _NC + lax.axis_index("c")
        pltpu.sync_copy(idx_hbm.at[wid], idx_v)
        base = wid * per_w

        def g_desc(g, s, b):
            c = g * _K + b
            return pltpu.make_async_copy(
                table_hbm.at[idx_v.at[c]], rows_v.at[s * _K + b], gsems[s])

        def o_desc(g, s, b):
            c = g * _K + b
            return pltpu.make_async_copy(
                rows_v.at[s * _K + b],
                out_hbm.at[pl.ds(base + c * _CHUNK, _CHUNK), pl.ds(0, d)],
                osems[s])

        def gfire(g, s):
            for b in range(_K):
                g_desc(g, s, b).start()

        def gdrain(g, s):
            for b in range(_K):
                g_desc(g, s, b).wait()

        def ofire(g, s):
            for b in range(_K):
                o_desc(g, s, b).start()

        def odrain(g, s):
            for b in range(_K):
                o_desc(g, s, b).wait()

        def part(g, s):
            odrain(g - 2, (s + 2) % _SLOTS)
            gfire(g + 2, (s + 2) % _SLOTS)
            gdrain(g, s)
            ofire(g, s)

        gfire(0, 0)
        gfire(1, 1)
        gfire(2, 2)
        gdrain(0, 0)
        ofire(0, 0)
        gfire(3, 3)
        gdrain(1, 1)
        ofire(1, 1)

        def step(i, carry):
            gbase = 4 * i + 2
            for q in range(4):
                part(gbase + q, (2 + q) % _SLOTS)
            return carry

        lax.fori_loop(0, (ngroups - 4) // 4, step, 0)

        ge = ngroups - 2
        odrain(ge - 2, 0)
        gdrain(ge, 2)
        ofire(ge, 2)
        odrain(ge - 1, 1)
        gdrain(ge + 1, 3)
        ofire(ge + 1, 3)
        odrain(ge, 2)
        odrain(ge + 1, 3)

    return pl.kernel(
        body,
        out_type=jax.ShapeDtypeStruct((n, 2 * d), jnp.float32),
        mesh=mesh,
        scratch_types=(
            [pltpu.VMEM((nchunk, _CHUNK), jnp.int32),
             pltpu.VMEM((_SLOTS * _K, _CHUNK, d), jnp.float32)]
            + [pltpu.SemaphoreType.DMA] * 8
        ),
        compiler_params=pltpu.CompilerParams(use_tc_tiling_on_sc=False),
    )


def kernel(input_ids, W_emb):
    b, l = input_ids.shape
    v, d = W_emb.shape
    n = b * l
    nchunk = n // (_NW * _CHUNK)
    idx = input_ids.reshape(_NW, nchunk, _CHUNK).astype(jnp.int32)
    out = _make_gather(n, d, nchunk)(idx, W_emb)
    return out[:, :d].reshape(b, l, d)

# --- scband reference (transcript-rebuilt; emitter-appended) ---
"""Pipeline reference for scband-embeddings-34617436405917 (READ-ONLY COPY).

The authoritative reference and input builder live on the scoring server;
editing this copy changes nothing except your own understanding.
"""

import jax, jax.numpy as jnp
import numpy as np

D_VOCAB = 1000000
HIDDEN = 64
B = 4096
L = 200

def setup_inputs(seed: int = 0) -> dict:
    key = jax.random.key(seed)
    k_idx, k_w = jax.random.split(key)
    input_ids = jax.random.randint(k_idx, (B, L), 0, D_VOCAB, dtype=jnp.int64 if jax.config.jax_enable_x64 else jnp.int32)
    W_emb = jax.random.normal(k_w, (D_VOCAB, HIDDEN), dtype=jnp.float32) * 0.02
    return {"input_ids": input_ids, "W_emb": W_emb}

def reference(input_ids, W_emb):
    # word_embeddings(input_ids): gather rows of the embedding table
    return jnp.take(W_emb, input_ids, axis=0)

if __name__ == "__main__":
    import jax
    _d = setup_inputs()
    print(jax.jit(kernel)(*tuple(_d.values())))

</pallas_src>

<mosaic_0001>
#map = affine_map<(d0, d1) -> (0, 0, 0)>
#map1 = affine_map<(d0, d1) -> (0, 0)>
module attributes {stable_mosaic.version = 14 : i64} {
  func.func @body(%arg0: i32, %arg1: i32, %arg2: memref<32x200x128xi32, #tpu.memory_space<hbm>>, %arg3: memref<1000000x64xf32, #tpu.memory_space<hbm>>, %arg4: memref<819200x128xf32, #tpu.memory_space<hbm>>, %arg5: memref<200x128xi32, #tpu.memory_space<vmem>>, %arg6: memref<8x128x64xf32, #tpu.memory_space<vmem>>, %arg7: memref<!tpu.dma_semaphore, #tpu.memory_space<semaphore_mem>>, %arg8: memref<!tpu.dma_semaphore, #tpu.memory_space<semaphore_mem>>, %arg9: memref<!tpu.dma_semaphore, #tpu.memory_space<semaphore_mem>>, %arg10: memref<!tpu.dma_semaphore, #tpu.memory_space<semaphore_mem>>, %arg11: memref<!tpu.dma_semaphore, #tpu.memory_space<semaphore_mem>>, %arg12: memref<!tpu.dma_semaphore, #tpu.memory_space<semaphore_mem>>, %arg13: memref<!tpu.dma_semaphore, #tpu.memory_space<semaphore_mem>>, %arg14: memref<!tpu.dma_semaphore, #tpu.memory_space<semaphore_mem>>) attributes {dimension_semantics = [#tpu.dimension_semantics<core_parallel>, #tpu.dimension_semantics<subcore_parallel>], iteration_bounds = array<i64: 2, 16>, scalar_prefetch = 0 : i64, scratch_operands = 10 : i64, tpu.core_type = #tpu.core_type<sc_vector_subcore>, window_params = [{transform_indices = #map}, {transform_indices = #map1}, {transform_indices = #map1}]} {
    %mul3A = arith.constant 2 : i32
    %mul3A_0 = arith.muli %arg1, %mul3A : i32
    %add3A = arith.addi %mul3A_0, %arg0 : i32
    "tpu.region"() ({
      %run_scoped3A = tpu.sem_alloc : memref<!tpu.dma_semaphore, #tpu.memory_space<semaphore_mem>>
      %dma_start3A_438 = arith.constant 0 : i32
      %dma_start3A_439 = arith.constant 0 : i32
      %dma_start3A_440 = tpu.memref_slice %arg2[%add3A, %dma_start3A_438, %dma_start3A_439] : memref<32x200x128xi32, #tpu.memory_space<hbm>> -> memref<1x200x128xi32, #tpu.memory_space<hbm>>
      %dma_start3A_441 = tpu.memref_squeeze %dma_start3A_440 : memref<1x200x128xi32, #tpu.memory_space<hbm>> -> memref<200x128xi32, #tpu.memory_space<hbm>>
      %dma_start3A_442 = arith.constant 0 : i32
      %dma_start3A_443 = arith.constant 0 : i32
      %dma_start3A_444 = tpu.memref_slice %arg2[%add3A, %dma_start3A_442, %dma_start3A_443] : memref<32x200x128xi32, #tpu.memory_space<hbm>> -> memref<1x200x128xi32, #tpu.memory_space<hbm>>
      %dma_start3A_445 = tpu.memref_squeeze %dma_start3A_444 : memref<1x200x128xi32, #tpu.memory_space<hbm>> -> memref<200x128xi32, #tpu.memory_space<hbm>>
      tpu.enqueue_dma source(%dma_start3A_445 : memref<200x128xi32, #tpu.memory_space<hbm>>) target(%arg5 : memref<200x128xi32, #tpu.memory_space<vmem>>) target_semaphore(%run_scoped3A : memref<!tpu.dma_semaphore, #tpu.memory_space<semaphore_mem>>)
      %dma_wait3A_446 = arith.constant 0 : i32
      %dma_wait3A_447 = arith.constant 0 : i32
      %dma_wait3A_448 = tpu.memref_slice %arg2[%add3A, %dma_wait3A_446, %dma_wait3A_447] : memref<32x200x128xi32, #tpu.memory_space<hbm>> -> memref<1x200x128xi32, #tpu.memory_space<hbm>>
      %dma_wait3A_449 = tpu.memref_squeeze %dma_wait3A_448 : memref<1x200x128xi32, #tpu.memory_space<hbm>> -> memref<200x128xi32, #tpu.memory_space<hbm>>
      %dma_wait3A_450 = arith.constant 0 : i32
      %dma_wait3A_451 = arith.constant 0 : i32
      %dma_wait3A_452 = tpu.memref_slice %arg2[%add3A, %dma_wait3A_450, %dma_wait3A_451] : memref<32x200x128xi32, #tpu.memory_space<hbm>> -> memref<1x200x128xi32, #tpu.memory_space<hbm>>
      %dma_wait3A_453 = tpu.memref_squeeze %dma_wait3A_452 : memref<1x200x128xi32, #tpu.memory_space<hbm>> -> memref<200x128xi32, #tpu.memory_space<hbm>>
      tpu.wait_dma2 semaphore(%run_scoped3A : memref<!tpu.dma_semaphore, #tpu.memory_space<semaphore_mem>>) src(%dma_wait3A_453 : memref<200x128xi32, #tpu.memory_space<hbm>>) dst(%arg5 : memref<200x128xi32, #tpu.memory_space<vmem>>)
      tpu.yield
    }) : () -> ()
    %mul3A_1 = arith.constant 25600 : i32
    %mul3A_2 = arith.muli %add3A, %mul3A_1 : i32
    %dma_start3A = arith.constant 0 : i32
    %dma_start3A_3 = arith.constant 0 : i32
    %dma_start3A_4 = arith.constant 0 : i32
    %dma_start3A_5 = arith.constant 0 : i32
    %dma_start3A_6 = tpu.memref_slice %arg6[%dma_start3A_3, %dma_start3A_4, %dma_start3A_5] : memref<8x128x64xf32, #tpu.memory_space<vmem>> -> memref<1x128x64xf32, #tpu.memory_space<vmem>>
    %dma_start3A_7 = tpu.memref_squeeze %dma_start3A_6 : memref<1x128x64xf32, #tpu.memory_space<vmem>> -> memref<128x64xf32, #tpu.memory_space<vmem>>
    %dma_start3A_8 = arith.constant 0 : i32
    %dma_start3A_9 = tpu.memref_slice %arg5[%dma_start3A, %dma_start3A_8] : memref<200x128xi32, #tpu.memory_space<vmem>> -> memref<1x128xi32, #tpu.memory_space<vmem>>
    %dma_start3A_10 = tpu.memref_squeeze %dma_start3A_9 : memref<1x128xi32, #tpu.memory_space<vmem>> -> memref<128xi32, #tpu.memory_space<vmem>>
    %dma_start3A_11 = arith.constant 0 : i32
    %dma_start3A_12 = arith.constant 0 : i32
    %dma_start3A_13 = tpu.memref_slice %arg3[%dma_start3A_11, %dma_start3A_12] : memref<1000000x64xf32, #tpu.memory_space<hbm>> -> memref<1000000x64xf32, #tpu.memory_space<hbm>>
    tpu.enqueue_indirect_dma source(%dma_start3A_13 : memref<1000000x64xf32, #tpu.memory_space<hbm>>) target(%dma_start3A_7 : memref<128x64xf32, #tpu.memory_space<vmem>>) offsets(%dma_start3A_10 : memref<128xi32, #tpu.memory_space<vmem>>) semaphore(%arg7 : memref<!tpu.dma_semaphore, #tpu.memory_space<semaphore_mem>>)
    %dma_start3A_14 = arith.constant 1 : i32
    %dma_start3A_15 = arith.constant 1 : i32
    %dma_start3A_16 = arith.constant 0 : i32
    %dma_start3A_17 = arith.constant 0 : i32
    %dma_start3A_18 = tpu.memref_slice %arg6[%dma_start3A_15, %dma_start3A_16, %dma_start3A_17] : memref<8x128x64xf32, #tpu.memory_space<vmem>> -> memref<1x128x64xf32, #tpu.memory_space<vmem>>
    %dma_start3A_19 = tpu.memref_squeeze %dma_start3A_18 : memref<1x128x64xf32, #tpu.memory_space<vmem>> -> memref<128x64xf32, #tpu.memory_space<vmem>>
    %dma_start3A_20 = arith.constant 0 : i32
    %dma_start3A_21 = tpu.memref_slice %arg5[%dma_start3A_14, %dma_start3A_20] : memref<200x128xi32, #tpu.memory_space<vmem>> -> memref<1x128xi32, #tpu.memory_space<vmem>>
    %dma_start3A_22 = tpu.memref_squeeze %dma_start3A_21 : memref<1x128xi32, #tpu.memory_space<vmem>> -> memref<128xi32, #tpu.memory_space<vmem>>
    %dma_start3A_23 = arith.constant 0 : i32
    %dma_start3A_24 = arith.constant 0 : i32
    %dma_start3A_25 = tpu.memref_slice %arg3[%dma_start3A_23, %dma_start3A_24] : memref<1000000x64xf32, #tpu.memory_space<hbm>> -> memref<1000000x64xf32, #tpu.memory_space<hbm>>
    tpu.enqueue_indirect_dma source(%dma_start3A_25 : memref<1000000x64xf32, #tpu.memory_space<hbm>>) target(%dma_start3A_19 : memref<128x64xf32, #tpu.memory_space<vmem>>) offsets(%dma_start3A_22 : memref<128xi32, #tpu.memory_space<vmem>>) semaphore(%arg7 : memref<!tpu.dma_semaphore, #tpu.memory_space<semaphore_mem>>)
    %dma_start3A_26 = arith.constant 2 : i32
    %dma_start3A_27 = arith.constant 2 : i32
    %dma_start3A_28 = arith.constant 0 : i32
    %dma_start3A_29 = arith.constant 0 : i32
    %dma_start3A_30 = tpu.memref_slice %arg6[%dma_start3A_27, %dma_start3A_28, %dma_start3A_29] : memref<8x128x64xf32, #tpu.memory_space<vmem>> -> memref<1x128x64xf32, #tpu.memory_space<vmem>>
    %dma_start3A_31 = tpu.memref_squeeze %dma_start3A_30 : memref<1x128x64xf32, #tpu.memory_space<vmem>> -> memref<128x64xf32, #tpu.memory_space<vmem>>
    %dma_start3A_32 = arith.constant 0 : i32
    %dma_start3A_33 = tpu.memref_slice %arg5[%dma_start3A_26, %dma_start3A_32] : memref<200x128xi32, #tpu.memory_space<vmem>> -> memref<1x128xi32, #tpu.memory_space<vmem>>
    %dma_start3A_34 = tpu.memref_squeeze %dma_start3A_33 : memref<1x128xi32, #tpu.memory_space<vmem>> -> memref<128xi32, #tpu.memory_space<vmem>>
    %dma_start3A_35 = arith.constant 0 : i32
    %dma_start3A_36 = arith.constant 0 : i32
    %dma_start3A_37 = tpu.memref_slice %arg3[%dma_start3A_35, %dma_start3A_36] : memref<1000000x64xf32, #tpu.memory_space<hbm>> -> memref<1000000x64xf32, #tpu.memory_space<hbm>>
    tpu.enqueue_indirect_dma source(%dma_start3A_37 : memref<1000000x64xf32, #tpu.memory_space<hbm>>) target(%dma_start3A_31 : memref<128x64xf32, #tpu.memory_space<vmem>>) offsets(%dma_start3A_34 : memref<128xi32, #tpu.memory_space<vmem>>) semaphore(%arg8 : memref<!tpu.dma_semaphore, #tpu.memory_space<semaphore_mem>>)
    %dma_start3A_38 = arith.constant 3 : i32
    %dma_start3A_39 = arith.constant 3 : i32
    %dma_start3A_40 = arith.constant 0 : i32
    %dma_start3A_41 = arith.constant 0 : i32
    %dma_start3A_42 = tpu.memref_slice %arg6[%dma_start3A_39, %dma_start3A_40, %dma_start3A_41] : memref<8x128x64xf32, #tpu.memory_space<vmem>> -> memref<1x128x64xf32, #tpu.memory_space<vmem>>
    %dma_start3A_43 = tpu.memref_squeeze %dma_start3A_42 : memref<1x128x64xf32, #tpu.memory_space<vmem>> -> memref<128x64xf32, #tpu.memory_space<vmem>>
    %dma_start3A_44 = arith.constant 0 : i32
    %dma_start3A_45 = tpu.memref_slice %arg5[%dma_start3A_38, %dma_start3A_44] : memref<200x128xi32, #tpu.memory_space<vmem>> -> memref<1x128xi32, #tpu.memory_space<vmem>>
    %dma_start3A_46 = tpu.memref_squeeze %dma_start3A_45 : memref<1x128xi32, #tpu.memory_space<vmem>> -> memref<128xi32, #tpu.memory_space<vmem>>
    %dma_start3A_47 = arith.constant 0 : i32
    %dma_start3A_48 = arith.constant 0 : i32
    %dma_start3A_49 = tpu.memref_slice %arg3[%dma_start3A_47, %dma_start3A_48] : memref<1000000x64xf32, #tpu.memory_space<hbm>> -> memref<1000000x64xf32, #tpu.memory_space<hbm>>
    tpu.enqueue_indirect_dma source(%dma_start3A_49 : memref<1000000x64xf32, #tpu.memory_space<hbm>>) target(%dma_start3A_43 : memref<128x64xf32, #tpu.memory_space<vmem>>) offsets(%dma_start3A_46 : memref<128xi32, #tpu.memory_space<vmem>>) semaphore(%arg8 : memref<!tpu.dma_semaphore, #tpu.memory_space<semaphore_mem>>)
    %dma_start3A_50 = arith.constant 4 : i32
    %dma_start3A_51 = arith.constant 4 : i32
    %dma_start3A_52 = arith.constant 0 : i32
    %dma_start3A_53 = arith.constant 0 : i32
    %dma_start3A_54 = tpu.memref_slice %arg6[%dma_start3A_51, %dma_start3A_52, %dma_start3A_53] : memref<8x128x64xf32, #tpu.memory_space<vmem>> -> memref<1x128x64xf32, #tpu.memory_space<vmem>>
    %dma_start3A_55 = tpu.memref_squeeze %dma_start3A_54 : memref<1x128x64xf32, #tpu.memory_space<vmem>> -> memref<128x64xf32, #tpu.memory_space<vmem>>
    %dma_start3A_56 = arith.constant 0 : i32
    %dma_start3A_57 = tpu.memref_slice %arg5[%dma_start3A_50, %dma_start3A_56] : memref<200x128xi32, #tpu.memory_space<vmem>> -> memref<1x128xi32, #tpu.memory_space<vmem>>
    %dma_start3A_58 = tpu.memref_squeeze %dma_start3A_57 : memref<1x128xi32, #tpu.memory_space<vmem>> -> memref<128xi32, #tpu.memory_space<vmem>>
    %dma_start3A_59 = arith.constant 0 : i32
    %dma_start3A_60 = arith.constant 0 : i32
    %dma_start3A_61 = tpu.memref_slice %arg3[%dma_start3A_59, %dma_start3A_60] : memref<1000000x64xf32, #tpu.memory_space<hbm>> -> memref<1000000x64xf32, #tpu.memory_space<hbm>>
    tpu.enqueue_indirect_dma source(%dma_start3A_61 : memref<1000000x64xf32, #tpu.memory_space<hbm>>) target(%dma_start3A_55 : memref<128x64xf32, #tpu.memory_space<vmem>>) offsets(%dma_start3A_58 : memref<128xi32, #tpu.memory_space<vmem>>) semaphore(%arg9 : memref<!tpu.dma_semaphore, #tpu.memory_space<semaphore_mem>>)
    %dma_start3A_62 = arith.constant 5 : i32
    %dma_start3A_63 = arith.constant 5 : i32
    %dma_start3A_64 = arith.constant 0 : i32
    %dma_start3A_65 = arith.constant 0 : i32
    %dma_start3A_66 = tpu.memref_slice %arg6[%dma_start3A_63, %dma_start3A_64, %dma_start3A_65] : memref<8x128x64xf32, #tpu.memory_space<vmem>> -> memref<1x128x64xf32, #tpu.memory_space<vmem>>
    %dma_start3A_67 = tpu.memref_squeeze %dma_start3A_66 : memref<1x128x64xf32, #tpu.memory_space<vmem>> -> memref<128x64xf32, #tpu.memory_space<vmem>>
    %dma_start3A_68 = arith.constant 0 : i32
    %dma_start3A_69 = tpu.memref_slice %arg5[%dma_start3A_62, %dma_start3A_68] : memref<200x128xi32, #tpu.memory_space<vmem>> -> memref<1x128xi32, #tpu.memory_space<vmem>>
    %dma_start3A_70 = tpu.memref_squeeze %dma_start3A_69 : memref<1x128xi32, #tpu.memory_space<vmem>> -> memref<128xi32, #tpu.memory_space<vmem>>
    %dma_start3A_71 = arith.constant 0 : i32
    %dma_start3A_72 = arith.constant 0 : i32
    %dma_start3A_73 = tpu.memref_slice %arg3[%dma_start3A_71, %dma_start3A_72] : memref<1000000x64xf32, #tpu.memory_space<hbm>> -> memref<1000000x64xf32, #tpu.memory_space<hbm>>
    tpu.enqueue_indirect_dma source(%dma_start3A_73 : memref<1000000x64xf32, #tpu.memory_space<hbm>>) target(%dma_start3A_67 : memref<128x64xf32, #tpu.memory_space<vmem>>) offsets(%dma_start3A_70 : memref<128xi32, #tpu.memory_space<vmem>>) semaphore(%arg9 : memref<!tpu.dma_semaphore, #tpu.memory_space<semaphore_mem>>)
    %dma_wait3A = arith.constant 0 : i32
    %dma_wait3A_74 = arith.constant 0 : i32
    %dma_wait3A_75 = arith.constant 0 : i32
    %dma_wait3A_76 = arith.constant 0 : i32
    %dma_wait3A_77 = tpu.memref_slice %arg6[%dma_wait3A_74, %dma_wait3A_75, %dma_wait3A_76] : memref<8x128x64xf32, #tpu.memory_space<vmem>> -> memref<1x128x64xf32, #tpu.memory_space<vmem>>
    %dma_wait3A_78 = tpu.memref_squeeze %dma_wait3A_77 : memref<1x128x64xf32, #tpu.memory_space<vmem>> -> memref<128x64xf32, #tpu.memory_space<vmem>>
    %dma_wait3A_79 = arith.constant 0 : i32
    %dma_wait3A_80 = tpu.memref_slice %arg5[%dma_wait3A, %dma_wait3A_79] : memref<200x128xi32, #tpu.memory_space<vmem>> -> memref<1x128xi32, #tpu.memory_space<vmem>>
    %dma_wait3A_81 = tpu.memref_squeeze %dma_wait3A_80 : memref<1x128xi32, #tpu.memory_space<vmem>> -> memref<128xi32, #tpu.memory_space<vmem>>
    %dma_wait3A_82 = arith.constant 0 : i32
    %dma_wait3A_83 = arith.constant 0 : i32
    %dma_wait3A_84 = tpu.memref_slice %arg3[%dma_wait3A_82, %dma_wait3A_83] : memref<1000000x64xf32, #tpu.memory_space<hbm>> -> memref<1000000x64xf32, #tpu.memory_space<hbm>>
    tpu.wait_indirect_dma semaphore(%arg7 : memref<!tpu.dma_semaphore, #tpu.memory_space<semaphore_mem>>) src(%dma_wait3A_84 : memref<1000000x64xf32, #tpu.memory_space<hbm>>) dst(%dma_wait3A_78 : memref<128x64xf32, #tpu.memory_space<vmem>>)
    %dma_wait3A_85 = arith.constant 1 : i32
    %dma_wait3A_86 = arith.constant 1 : i32
    %dma_wait3A_87 = arith.constant 0 : i32
    %dma_wait3A_88 = arith.constant 0 : i32
    %dma_wait3A_89 = tpu.memref_slice %arg6[%dma_wait3A_86, %dma_wait3A_87, %dma_wait3A_88] : memref<8x128x64xf32, #tpu.memory_space<vmem>> -> memref<1x128x64xf32, #tpu.memory_space<vmem>>
    %dma_wait3A_90 = tpu.memref_squeeze %dma_wait3A_89 : memref<1x128x64xf32, #tpu.memory_space<vmem>> -> memref<128x64xf32, #tpu.memory_space<vmem>>
    %dma_wait3A_91 = arith.constant 0 : i32
    %dma_wait3A_92 = tpu.memref_slice %arg5[%dma_wait3A_85, %dma_wait3A_91] : memref<200x128xi32, #tpu.memory_space<vmem>> -> memref<1x128xi32, #tpu.memory_space<vmem>>
    %dma_wait3A_93 = tpu.memref_squeeze %dma_wait3A_92 : memref<1x128xi32, #tpu.memory_space<vmem>> -> memref<128xi32, #tpu.memory_space<vmem>>
    %dma_wait3A_94 = arith.constant 0 : i32
    %dma_wait3A_95 = arith.constant 0 : i32
    %dma_wait3A_96 = tpu.memref_slice %arg3[%dma_wait3A_94, %dma_wait3A_95] : memref<1000000x64xf32, #tpu.memory_space<hbm>> -> memref<1000000x64xf32, #tpu.memory_space<hbm>>
    tpu.wait_indirect_dma semaphore(%arg7 : memref<!tpu.dma_semaphore, #tpu.memory_space<semaphore_mem>>) src(%dma_wait3A_96 : memref<1000000x64xf32, #tpu.memory_space<hbm>>) dst(%dma_wait3A_90 : memref<128x64xf32, #tpu.memory_space<vmem>>)
    %add3A_97 = arith.constant 0 : i32
    %add3A_98 = arith.addi %mul3A_2, %add3A_97 : i32
    %dma_start3A_99 = arith.constant 0 : i32
    %dma_start3A_100 = arith.constant 0 : i32
    %dma_start3A_101 = arith.constant 0 : i32
    %dma_start3A_102 = tpu.memref_slice %arg6[%dma_start3A_99, %dma_start3A_100, %dma_start3A_101] : memref<8x128x64xf32, #tpu.memory_space<vmem>> -> memref<1x128x64xf32, #tpu.memory_space<vmem>>
    %dma_start3A_103 = tpu.memref_squeeze %dma_start3A_102 : memref<1x128x64xf32, #tpu.memory_space<vmem>> -> memref<128x64xf32, #tpu.memory_space<vmem>>
    %dma_start3A_104 = arith.constant 0 : i32
    %dma_start3A_105 = tpu.memref_slice %arg4[%add3A_98, %dma_start3A_104] : memref<819200x128xf32, #tpu.memory_space<hbm>> -> memref<128x64xf32, #tpu.memory_space<hbm>>
    %dma_start3A_106 = arith.constant 0 : i32
    %dma_start3A_107 = tpu.memref_slice %arg4[%add3A_98, %dma_start3A_106] : memref<819200x128xf32, #tpu.memory_space<hbm>> -> memref<128x64xf32, #tpu.memory_space<hbm>>
    %dma_start3A_108 = arith.constant 0 : i32
    %dma_start3A_109 = arith.constant 0 : i32
    %dma_start3A_110 = tpu.memref_slice %arg6[%dma_start3A_99, %dma_start3A_108, %dma_start3A_109] : memref<8x128x64xf32, #tpu.memory_space<vmem>> -> memref<1x128x64xf32, #tpu.memory_space<vmem>>
    %dma_start3A_111 = tpu.memref_squeeze %dma_start3A_110 : memref<1x128x64xf32, #tpu.memory_space<vmem>> -> memref<128x64xf32, #tpu.memory_space<vmem>>
    tpu.enqueue_dma source(%dma_start3A_111 : memref<128x64xf32, #tpu.memory_space<vmem>>) target(%dma_start3A_107 : memref<128x64xf32, #tpu.memory_space<hbm>>) target_semaphore(%arg11 : memref<!tpu.dma_semaphore, #tpu.memory_space<semaphore_mem>>)
    %add3A_112 = arith.constant 128 : i32
    %add3A_113 = arith.addi %mul3A_2, %add3A_112 : i32
    %dma_start3A_114 = arith.constant 1 : i32
    %dma_start3A_115 = arith.constant 0 : i32
    %dma_start3A_116 = arith.constant 0 : i32
    %dma_start3A_117 = tpu.memref_slice %arg6[%dma_start3A_114, %dma_start3A_115, %dma_start3A_116] : memref<8x128x64xf32, #tpu.memory_space<vmem>> -> memref<1x128x64xf32, #tpu.memory_space<vmem>>
    %dma_start3A_118 = tpu.memref_squeeze %dma_start3A_117 : memref<1x128x64xf32, #tpu.memory_space<vmem>> -> memref<128x64xf32, #tpu.memory_space<vmem>>
    %dma_start3A_119 = arith.constant 0 : i32
    %dma_start3A_120 = tpu.memref_slice %arg4[%add3A_113, %dma_start3A_119] : memref<819200x128xf32, #tpu.memory_space<hbm>> -> memref<128x64xf32, #tpu.memory_space<hbm>>
    %dma_start3A_121 = arith.constant 0 : i32
    %dma_start3A_122 = tpu.memref_slice %arg4[%add3A_113, %dma_start3A_121] : memref<819200x128xf32, #tpu.memory_space<hbm>> -> memref<128x64xf32, #tpu.memory_space<hbm>>
    %dma_start3A_123 = arith.constant 0 : i32
    %dma_start3A_124 = arith.constant 0 : i32
    %dma_start3A_125 = tpu.memref_slice %arg6[%dma_start3A_114, %dma_start3A_123, %dma_start3A_124] : memref<8x128x64xf32, #tpu.memory_space<vmem>> -> memref<1x128x64xf32, #tpu.memory_space<vmem>>
    %dma_start3A_126 = tpu.memref_squeeze %dma_start3A_125 : memref<1x128x64xf32, #tpu.memory_space<vmem>> -> memref<128x64xf32, #tpu.memory_space<vmem>>
    tpu.enqueue_dma source(%dma_start3A_126 : memref<128x64xf32, #tpu.memory_space<vmem>>) target(%dma_start3A_122 : memref<128x64xf32, #tpu.memory_space<hbm>>) target_semaphore(%arg11 : memref<!tpu.dma_semaphore, #tpu.memory_space<semaphore_mem>>)
    %dma_start3A_127 = arith.constant 6 : i32
    %dma_start3A_128 = arith.constant 6 : i32
    %dma_start3A_129 = arith.constant 0 : i32
    %dma_start3A_130 = arith.constant 0 : i32
    %dma_start3A_131 = tpu.memref_slice %arg6[%dma_start3A_128, %dma_start3A_129, %dma_start3A_130] : memref<8x128x64xf32, #tpu.memory_space<vmem>> -> memref<1x128x64xf32, #tpu.memory_space<vmem>>
    %dma_start3A_132 = tpu.memref_squeeze %dma_start3A_131 : memref<1x128x64xf32, #tpu.memory_space<vmem>> -> memref<128x64xf32, #tpu.memory_space<vmem>>
    %dma_start3A_133 = arith.constant 0 : i32
    %dma_start3A_134 = tpu.memref_slice %arg5[%dma_start3A_127, %dma_start3A_133] : memref<200x128xi32, #tpu.memory_space<vmem>> -> memref<1x128xi32, #tpu.memory_space<vmem>>
    %dma_start3A_135 = tpu.memref_squeeze %dma_start3A_134 : memref<1x128xi32, #tpu.memory_space<vmem>> -> memref<128xi32, #tpu.memory_space<vmem>>
    %dma_start3A_136 = arith.constant 0 : i32
    %dma_start3A_137 = arith.constant 0 : i32
    %dma_start3A_138 = tpu.memref_slice %arg3[%dma_start3A_136, %dma_start3A_137] : memref<1000000x64xf32, #tpu.memory_space<hbm>> -> memref<1000000x64xf32, #tpu.memory_space<hbm>>
    tpu.enqueue_indirect_dma source(%dma_start3A_138 : memref<1000000x64xf32, #tpu.memory_space<hbm>>) target(%dma_start3A_132 : memref<128x64xf32, #tpu.memory_space<vmem>>) offsets(%dma_start3A_135 : memref<128xi32, #tpu.memory_space<vmem>>) semaphore(%arg10 : memref<!tpu.dma_semaphore, #tpu.memory_space<semaphore_mem>>)
    %dma_start3A_139 = arith.constant 7 : i32
    %dma_start3A_140 = arith.constant 7 : i32
    %dma_start3A_141 = arith.constant 0 : i32
    %dma_start3A_142 = arith.constant 0 : i32
    %dma_start3A_143 = tpu.memref_slice %arg6[%dma_start3A_140, %dma_start3A_141, %dma_start3A_142] : memref<8x128x64xf32, #tpu.memory_space<vmem>> -> memref<1x128x64xf32, #tpu.memory_space<vmem>>
    %dma_start3A_144 = tpu.memref_squeeze %dma_start3A_143 : memref<1x128x64xf32, #tpu.memory_space<vmem>> -> memref<128x64xf32, #tpu.memory_space<vmem>>
    %dma_start3A_145 = arith.constant 0 : i32
    %dma_start3A_146 = tpu.memref_slice %arg5[%dma_start3A_139, %dma_start3A_145] : memref<200x128xi32, #tpu.memory_space<vmem>> -> memref<1x128xi32, #tpu.memory_space<vmem>>
    %dma_start3A_147 = tpu.memref_squeeze %dma_start3A_146 : memref<1x128xi32, #tpu.memory_space<vmem>> -> memref<128xi32, #tpu.memory_space<vmem>>
    %dma_start3A_148 = arith.constant 0 : i32
    %dma_start3A_149 = arith.constant 0 : i32
    %dma_start3A_150 = tpu.memref_slice %arg3[%dma_start3A_148, %dma_start3A_149] : memref<1000000x64xf32, #tpu.memory_space<hbm>> -> memref<1000000x64xf32, #tpu.memory_space<hbm>>
    tpu.enqueue_indirect_dma source(%dma_start3A_150 : memref<1000000x64xf32, #tpu.memory_space<hbm>>) target(%dma_start3A_144 : memref<128x64xf32, #tpu.memory_space<vmem>>) offsets(%dma_start3A_147 : memref<128xi32, #tpu.memory_space<vmem>>) semaphore(%arg10 : memref<!tpu.dma_semaphore, #tpu.memory_space<semaphore_mem>>)
    %dma_wait3A_151 = arith.constant 2 : i32
    %dma_wait3A_152 = arith.constant 2 : i32
    %dma_wait3A_153 = arith.constant 0 : i32
    %dma_wait3A_154 = arith.constant 0 : i32
    %dma_wait3A_155 = tpu.memref_slice %arg6[%dma_wait3A_152, %dma_wait3A_153, %dma_wait3A_154] : memref<8x128x64xf32, #tpu.memory_space<vmem>> -> memref<1x128x64xf32, #tpu.memory_space<vmem>>
    %dma_wait3A_156 = tpu.memref_squeeze %dma_wait3A_155 : memref<1x128x64xf32, #tpu.memory_space<vmem>> -> memref<128x64xf32, #tpu.memory_space<vmem>>
    %dma_wait3A_157 = arith.constant 0 : i32
    %dma_wait3A_158 = tpu.memref_slice %arg5[%dma_wait3A_151, %dma_wait3A_157] : memref<200x128xi32, #tpu.memory_space<vmem>> -> memref<1x128xi32, #tpu.memory_space<vmem>>
    %dma_wait3A_159 = tpu.memref_squeeze %dma_wait3A_158 : memref<1x128xi32, #tpu.memory_space<vmem>> -> memref<128xi32, #tpu.memory_space<vmem>>
    %dma_wait3A_160 = arith.constant 0 : i32
    %dma_wait3A_161 = arith.constant 0 : i32
    %dma_wait3A_162 = tpu.memref_slice %arg3[%dma_wait3A_160, %dma_wait3A_161] : memref<1000000x64xf32, #tpu.memory_space<hbm>> -> memref<1000000x64xf32, #tpu.memory_space<hbm>>
    tpu.wait_indirect_dma semaphore(%arg8 : memref<!tpu.dma_semaphore, #tpu.memory_space<semaphore_mem>>) src(%dma_wait3A_162 : memref<1000000x64xf32, #tpu.memory_space<hbm>>) dst(%dma_wait3A_156 : memref<128x64xf32, #tpu.memory_space<vmem>>)
    %dma_wait3A_163 = arith.constant 3 : i32
    %dma_wait3A_164 = arith.constant 3 : i32
    %dma_wait3A_165 = arith.constant 0 : i32
    %dma_wait3A_166 = arith.constant 0 : i32
    %dma_wait3A_167 = tpu.memref_slice %arg6[%dma_wait3A_164, %dma_wait3A_165, %dma_wait3A_166] : memref<8x128x64xf32, #tpu.memory_space<vmem>> -> memref<1x128x64xf32, #tpu.memory_space<vmem>>
    %dma_wait3A_168 = tpu.memref_squeeze %dma_wait3A_167 : memref<1x128x64xf32, #tpu.memory_space<vmem>> -> memref<128x64xf32, #tpu.memory_space<vmem>>
    %dma_wait3A_169 = arith.constant 0 : i32
    %dma_wait3A_170 = tpu.memref_slice %arg5[%dma_wait3A_163, %dma_wait3A_169] : memref<200x128xi32, #tpu.memory_space<vmem>> -> memref<1x128xi32, #tpu.memory_space<vmem>>
    %dma_wait3A_171 = tpu.memref_squeeze %dma_wait3A_170 : memref<1x128xi32, #tpu.memory_space<vmem>> -> memref<128xi32, #tpu.memory_space<vmem>>
    %dma_wait3A_172 = arith.constant 0 : i32
    %dma_wait3A_173 = arith.constant 0 : i32
    %dma_wait3A_174 = tpu.memref_slice %arg3[%dma_wait3A_172, %dma_wait3A_173] : memref<1000000x64xf32, #tpu.memory_space<hbm>> -> memref<1000000x64xf32, #tpu.memory_space<hbm>>
    tpu.wait_indirect_dma semaphore(%arg8 : memref<!tpu.dma_semaphore, #tpu.memory_space<semaphore_mem>>) src(%dma_wait3A_174 : memref<1000000x64xf32, #tpu.memory_space<hbm>>) dst(%dma_wait3A_168 : memref<128x64xf32, #tpu.memory_space<vmem>>)
    %add3A_175 = arith.constant 256 : i32
    %add3A_176 = arith.addi %mul3A_2, %add3A_175 : i32
    %dma_start3A_177 = arith.constant 2 : i32
    %dma_start3A_178 = arith.constant 0 : i32
    %dma_start3A_179 = arith.constant 0 : i32
    %dma_start3A_180 = tpu.memref_slice %arg6[%dma_start3A_177, %dma_start3A_178, %dma_start3A_179] : memref<8x128x64xf32, #tpu.memory_space<vmem>> -> memref<1x128x64xf32, #tpu.memory_space<vmem>>
    %dma_start3A_181 = tpu.memref_squeeze %dma_start3A_180 : memref<1x128x64xf32, #tpu.memory_space<vmem>> -> memref<128x64xf32, #tpu.memory_space<vmem>>
    %dma_start3A_182 = arith.constant 0 : i32
    %dma_start3A_183 = tpu.memref_slice %arg4[%add3A_176, %dma_start3A_182] : memref<819200x128xf32, #tpu.memory_space<hbm>> -> memref<128x64xf32, #tpu.memory_space<hbm>>
    %dma_start3A_184 = arith.constant 0 : i32
    %dma_start3A_185 = tpu.memref_slice %arg4[%add3A_176, %dma_start3A_184] : memref<819200x128xf32, #tpu.memory_space<hbm>> -> memref<128x64xf32, #tpu.memory_space<hbm>>
    %dma_start3A_186 = arith.constant 0 : i32
    %dma_start3A_187 = arith.constant 0 : i32
    %dma_start3A_188 = tpu.memref_slice %arg6[%dma_start3A_177, %dma_start3A_186, %dma_start3A_187] : memref<8x128x64xf32, #tpu.memory_space<vmem>> -> memref<1x128x64xf32, #tpu.memory_space<vmem>>
    %dma_start3A_189 = tpu.memref_squeeze %dma_start3A_188 : memref<1x128x64xf32, #tpu.memory_space<vmem>> -> memref<128x64xf32, #tpu.memory_space<vmem>>
    tpu.enqueue_dma source(%dma_start3A_189 : memref<128x64xf32, #tpu.memory_space<vmem>>) target(%dma_start3A_185 : memref<128x64xf32, #tpu.memory_space<hbm>>) target_semaphore(%arg12 : memref<!tpu.dma_semaphore, #tpu.memory_space<semaphore_mem>>)
    %add3A_190 = arith.constant 384 : i32
    %add3A_191 = arith.addi %mul3A_2, %add3A_190 : i32
    %dma_start3A_192 = arith.constant 3 : i32
    %dma_start3A_193 = arith.constant 0 : i32
    %dma_start3A_194 = arith.constant 0 : i32
    %dma_start3A_195 = tpu.memref_slice %arg6[%dma_start3A_192, %dma_start3A_193, %dma_start3A_194] : memref<8x128x64xf32, #tpu.memory_space<vmem>> -> memref<1x128x64xf32, #tpu.memory_space<vmem>>
    %dma_start3A_196 = tpu.memref_squeeze %dma_start3A_195 : memref<1x128x64xf32, #tpu.memory_space<vmem>> -> memref<128x64xf32, #tpu.memory_space<vmem>>
    %dma_start3A_197 = arith.constant 0 : i32
    %dma_start3A_198 = tpu.memref_slice %arg4[%add3A_191, %dma_start3A_197] : memref<819200x128xf32, #tpu.memory_space<hbm>> -> memref<128x64xf32, #tpu.memory_space<hbm>>
    %dma_start3A_199 = arith.constant 0 : i32
    %dma_start3A_200 = tpu.memref_slice %arg4[%add3A_191, %dma_start3A_199] : memref<819200x128xf32, #tpu.memory_space<hbm>> -> memref<128x64xf32, #tpu.memory_space<hbm>>
    %dma_start3A_201 = arith.constant 0 : i32
    %dma_start3A_202 = arith.constant 0 : i32
    %dma_start3A_203 = tpu.memref_slice %arg6[%dma_start3A_192, %dma_start3A_201, %dma_start3A_202] : memref<8x128x64xf32, #tpu.memory_space<vmem>> -> memref<1x128x64xf32, #tpu.memory_space<vmem>>
    %dma_start3A_204 = tpu.memref_squeeze %dma_start3A_203 : memref<1x128x64xf32, #tpu.memory_space<vmem>> -> memref<128x64xf32, #tpu.memory_space<vmem>>
    tpu.enqueue_dma source(%dma_start3A_204 : memref<128x64xf32, #tpu.memory_space<vmem>>) target(%dma_start3A_200 : memref<128x64xf32, #tpu.memory_space<hbm>>) target_semaphore(%arg12 : memref<!tpu.dma_semaphore, #tpu.memory_space<semaphore_mem>>)
    %scan3A = arith.constant 0 : i32
    %scan3A_205 = arith.constant 0 : i32
    %scan3A_206 = arith.constant 24 : i32
    %scan3A_207 = arith.addi %scan3A_205, %scan3A_206 : i32
    %scan3A_208 = arith.constant 1 : i32
    scf.for %scan3A_438 = %scan3A_205 to %scan3A_207 step %scan3A_208  : i32 {
      %mul3A_439 = arith.constant 4 : i32
      %mul3A_440 = arith.muli %mul3A_439, %scan3A_438 : i32
      %add3A_441 = arith.constant 2 : i32
      %add3A_442 = arith.addi %mul3A_440, %add3A_441 : i32
      %add3A_443 = arith.constant 0 : i32
      %add3A_444 = arith.addi %add3A_442, %add3A_443 : i32
      %sub3A = arith.constant 2 : i32
      %sub3A_445 = arith.subi %add3A_444, %sub3A : i32
      %mul3A_446 = arith.constant 2 : i32
      %mul3A_447 = arith.muli %sub3A_445, %mul3A_446 : i32
      %add3A_448 = arith.constant 0 : i32
      %add3A_449 = arith.addi %mul3A_447, %add3A_448 : i32
      %mul3A_450 = arith.constant 128 : i32
      %mul3A_451 = arith.muli %add3A_449, %mul3A_450 : i32
      %add3A_452 = arith.addi %mul3A_2, %mul3A_451 : i32
      %dma_wait3A_453 = arith.constant 0 : i32
      %dma_wait3A_454 = arith.constant 0 : i32
      %dma_wait3A_455 = arith.constant 0 : i32
      %dma_wait3A_456 = tpu.memref_slice %arg6[%dma_wait3A_453, %dma_wait3A_454, %dma_wait3A_455] : memref<8x128x64xf32, #tpu.memory_space<vmem>> -> memref<1x128x64xf32, #tpu.memory_space<vmem>>
      %dma_wait3A_457 = tpu.memref_squeeze %dma_wait3A_456 : memref<1x128x64xf32, #tpu.memory_space<vmem>> -> memref<128x64xf32, #tpu.memory_space<vmem>>
      %dma_wait3A_458 = arith.constant 0 : i32
      %dma_wait3A_459 = tpu.memref_slice %arg4[%add3A_452, %dma_wait3A_458] : memref<819200x128xf32, #tpu.memory_space<hbm>> -> memref<128x64xf32, #tpu.memory_space<hbm>>
      %dma_wait3A_460 = arith.constant 0 : i32
      %dma_wait3A_461 = tpu.memref_slice %arg4[%add3A_452, %dma_wait3A_460] : memref<819200x128xf32, #tpu.memory_space<hbm>> -> memref<128x64xf32, #tpu.memory_space<hbm>>
      %dma_wait3A_462 = arith.constant 0 : i32
      %dma_wait3A_463 = arith.constant 0 : i32
      %dma_wait3A_464 = tpu.memref_slice %arg6[%dma_wait3A_453, %dma_wait3A_462, %dma_wait3A_463] : memref<8x128x64xf32, #tpu.memory_space<vmem>> -> memref<1x128x64xf32, #tpu.memory_space<vmem>>
      %dma_wait3A_465 = tpu.memref_squeeze %dma_wait3A_464 : memref<1x128x64xf32, #tpu.memory_space<vmem>> -> memref<128x64xf32, #tpu.memory_space<vmem>>
      tpu.wait_dma2 semaphore(%arg11 : memref<!tpu.dma_semaphore, #tpu.memory_space<semaphore_mem>>) src(%dma_wait3A_465 : memref<128x64xf32, #tpu.memory_space<vmem>>) dst(%dma_wait3A_461 : memref<128x64xf32, #tpu.memory_space<hbm>>)
      %mul3A_466 = arith.constant 2 : i32
      %mul3A_467 = arith.muli %sub3A_445, %mul3A_466 : i32
      %add3A_468 = arith.constant 1 : i32
      %add3A_469 = arith.addi %mul3A_467, %add3A_468 : i32
      %mul3A_470 = arith.constant 128 : i32
      %mul3A_471 = arith.muli %add3A_469, %mul3A_470 : i32
      %add3A_472 = arith.addi %mul3A_2, %mul3A_471 : i32
      %dma_wait3A_473 = arith.constant 1 : i32
      %dma_wait3A_474 = arith.constant 0 : i32
      %dma_wait3A_475 = arith.constant 0 : i32
      %dma_wait3A_476 = tpu.memref_slice %arg6[%dma_wait3A_473, %dma_wait3A_474, %dma_wait3A_475] : memref<8x128x64xf32, #tpu.memory_space<vmem>> -> memref<1x128x64xf32, #tpu.memory_space<vmem>>
      %dma_wait3A_477 = tpu.memref_squeeze %dma_wait3A_476 : memref<1x128x64xf32, #tpu.memory_space<vmem>> -> memref<128x64xf32, #tpu.memory_space<vmem>>
      %dma_wait3A_478 = arith.constant 0 : i32
      %dma_wait3A_479 = tpu.memref_slice %arg4[%add3A_472, %dma_wait3A_478] : memref<819200x128xf32, #tpu.memory_space<hbm>> -> memref<128x64xf32, #tpu.memory_space<hbm>>
      %dma_wait3A_480 = arith.constant 0 : i32
      %dma_wait3A_481 = tpu.memref_slice %arg4[%add3A_472, %dma_wait3A_480] : memref<819200x128xf32, #tpu.memory_space<hbm>> -> memref<128x64xf32, #tpu.memory_space<hbm>>
      %dma_wait3A_482 = arith.constant 0 : i32
      %dma_wait3A_483 = arith.constant 0 : i32
      %dma_wait3A_484 = tpu.memref_slice %arg6[%dma_wait3A_473, %dma_wait3A_482, %dma_wait3A_483] : memref<8x128x64xf32, #tpu.memory_space<vmem>> -> memref<1x128x64xf32, #tpu.memory_space<vmem>>
      %dma_wait3A_485 = tpu.memref_squeeze %dma_wait3A_484 : memref<1x128x64xf32, #tpu.memory_space<vmem>> -> memref<128x64xf32, #tpu.memory_space<vmem>>
      tpu.wait_dma2 semaphore(%arg11 : memref<!tpu.dma_semaphore, #tpu.memory_space<semaphore_mem>>) src(%dma_wait3A_485 : memref<128x64xf32, #tpu.memory_space<vmem>>) dst(%dma_wait3A_481 : memref<128x64xf32, #tpu.memory_space<hbm>>)
      %add3A_486 = arith.constant 2 : i32
      %add3A_487 = arith.addi %add3A_444, %add3A_486 : i32
      %mul3A_488 = arith.constant 2 : i32
      %mul3A_489 = arith.muli %add3A_487, %mul3A_488 : i32
      %add3A_490 = arith.constant 0 : i32
      %add3A_491 = arith.addi %mul3A_489, %add3A_490 : i32
      %dma_start3A_492 = arith.constant 0 : i32
      %dma_start3A_493 = arith.constant 0 : i32
      %dma_start3A_494 = arith.constant 0 : i32
      %dma_start3A_495 = tpu.memref_slice %arg6[%dma_start3A_492, %dma_start3A_493, %dma_start3A_494] : memref<8x128x64xf32, #tpu.memory_space<vmem>> -> memref<1x128x64xf32, #tpu.memory_space<vmem>>
      %dma_start3A_496 = tpu.memref_squeeze %dma_start3A_495 : memref<1x128x64xf32, #tpu.memory_space<vmem>> -> memref<128x64xf32, #tpu.memory_space<vmem>>
      %dma_start3A_497 = arith.constant 0 : i32
      %dma_start3A_498 = tpu.memref_slice %arg5[%add3A_491, %dma_start3A_497] : memref<200x128xi32, #tpu.memory_space<vmem>> -> memref<1x128xi32, #tpu.memory_space<vmem>>
      %dma_start3A_499 = tpu.memref_squeeze %dma_start3A_498 : memref<1x128xi32, #tpu.memory_space<vmem>> -> memref<128xi32, #tpu.memory_space<vmem>>
      %dma_start3A_500 = arith.constant 0 : i32
      %dma_start3A_501 = arith.constant 0 : i32
      %dma_start3A_502 = tpu.memref_slice %arg3[%dma_start3A_500, %dma_start3A_501] : memref<1000000x64xf32, #tpu.memory_space<hbm>> -> memref<1000000x64xf32, #tpu.memory_space<hbm>>
      tpu.enqueue_indirect_dma source(%dma_start3A_502 : memref<1000000x64xf32, #tpu.memory_space<hbm>>) target(%dma_start3A_496 : memref<128x64xf32, #tpu.memory_space<vmem>>) offsets(%dma_start3A_499 : memref<128xi32, #tpu.memory_space<vmem>>) semaphore(%arg7 : memref<!tpu.dma_semaphore, #tpu.memory_space<semaphore_mem>>)
      %mul3A_503 = arith.constant 2 : i32
      %mul3A_504 = arith.muli %add3A_487, %mul3A_503 : i32
      %add3A_505 = arith.constant 1 : i32
      %add3A_506 = arith.addi %mul3A_504, %add3A_505 : i32
      %dma_start3A_507 = arith.constant 1 : i32
      %dma_start3A_508 = arith.constant 0 : i32
      %dma_start3A_509 = arith.constant 0 : i32
      %dma_start3A_510 = tpu.memref_slice %arg6[%dma_start3A_507, %dma_start3A_508, %dma_start3A_509] : memref<8x128x64xf32, #tpu.memory_space<vmem>> -> memref<1x128x64xf32, #tpu.memory_space<vmem>>
      %dma_start3A_511 = tpu.memref_squeeze %dma_start3A_510 : memref<1x128x64xf32, #tpu.memory_space<vmem>> -> memref<128x64xf32, #tpu.memory_space<vmem>>
      %dma_start3A_512 = arith.constant 0 : i32
      %dma_start3A_513 = tpu.memref_slice %arg5[%add3A_506, %dma_start3A_512] : memref<200x128xi32, #tpu.memory_space<vmem>> -> memref<1x128xi32, #tpu.memory_space<vmem>>
      %dma_start3A_514 = tpu.memref_squeeze %dma_start3A_513 : memref<1x128xi32, #tpu.memory_space<vmem>> -> memref<128xi32, #tpu.memory_space<vmem>>
      %dma_start3A_515 = arith.constant 0 : i32
      %dma_start3A_516 = arith.constant 0 : i32
      %dma_start3A_517 = tpu.memref_slice %arg3[%dma_start3A_515, %dma_start3A_516] : memref<1000000x64xf32, #tpu.memory_space<hbm>> -> memref<1000000x64xf32, #tpu.memory_space<hbm>>
      tpu.enqueue_indirect_dma source(%dma_start3A_517 : memref<1000000x64xf32, #tpu.memory_space<hbm>>) target(%dma_start3A_511 : memref<128x64xf32, #tpu.memory_space<vmem>>) offsets(%dma_start3A_514 : memref<128xi32, #tpu.memory_space<vmem>>) semaphore(%arg7 : memref<!tpu.dma_semaphore, #tpu.memory_space<semaphore_mem>>)
      %mul3A_518 = arith.constant 2 : i32
      %mul3A_519 = arith.muli %add3A_444, %mul3A_518 : i32
      %add3A_520 = arith.constant 0 : i32
      %add3A_521 = arith.addi %mul3A_519, %add3A_520 : i32
      %dma_wait3A_522 = arith.constant 4 : i32
      %dma_wait3A_523 = arith.constant 0 : i32
      %dma_wait3A_524 = arith.constant 0 : i32
      %dma_wait3A_525 = tpu.memref_slice %arg6[%dma_wait3A_522, %dma_wait3A_523, %dma_wait3A_524] : memref<8x128x64xf32, #tpu.memory_space<vmem>> -> memref<1x128x64xf32, #tpu.memory_space<vmem>>
      %dma_wait3A_526 = tpu.memref_squeeze %dma_wait3A_525 : memref<1x128x64xf32, #tpu.memory_space<vmem>> -> memref<128x64xf32, #tpu.memory_space<vmem>>
      %dma_wait3A_527 = arith.constant 0 : i32
      %dma_wait3A_528 = tpu.memref_slice %arg5[%add3A_521, %dma_wait3A_527] : memref<200x128xi32, #tpu.memory_space<vmem>> -> memref<1x128xi32, #tpu.memory_space<vmem>>
      %dma_wait3A_529 = tpu.memref_squeeze %dma_wait3A_528 : memref<1x128xi32, #tpu.memory_space<vmem>> -> memref<128xi32, #tpu.memory_space<vmem>>
      %dma_wait3A_530 = arith.constant 0 : i32
      %dma_wait3A_531 = arith.constant 0 : i32
      %dma_wait3A_532 = tpu.memref_slice %arg3[%dma_wait3A_530, %dma_wait3A_531] : memref<1000000x64xf32, #tpu.memory_space<hbm>> -> memref<1000000x64xf32, #tpu.memory_space<hbm>>
      tpu.wait_indirect_dma semaphore(%arg9 : memref<!tpu.dma_semaphore, #tpu.memory_space<semaphore_mem>>) src(%dma_wait3A_532 : memref<1000000x64xf32, #tpu.memory_space<hbm>>) dst(%dma_wait3A_526 : memref<128x64xf32, #tpu.memory_space<vmem>>)
      %mul3A_533 = arith.constant 2 : i32
      %mul3A_534 = arith.muli %add3A_444, %mul3A_533 : i32
      %add3A_535 = arith.constant 1 : i32
      %add3A_536 = arith.addi %mul3A_534, %add3A_535 : i32
      %dma_wait3A_537 = arith.constant 5 : i32
      %dma_wait3A_538 = arith.constant 0 : i32
      %dma_wait3A_539 = arith.constant 0 : i32
      %dma_wait3A_540 = tpu.memref_slice %arg6[%dma_wait3A_537, %dma_wait3A_538, %dma_wait3A_539] : memref<8x128x64xf32, #tpu.memory_space<vmem>> -> memref<1x128x64xf32, #tpu.memory_space<vmem>>
      %dma_wait3A_541 = tpu.memref_squeeze %dma_wait3A_540 : memref<1x128x64xf32, #tpu.memory_space<vmem>> -> memref<128x64xf32, #tpu.memory_space<vmem>>
      %dma_wait3A_542 = arith.constant 0 : i32
      %dma_wait3A_543 = tpu.memref_slice %arg5[%add3A_536, %dma_wait3A_542] : memref<200x128xi32, #tpu.memory_space<vmem>> -> memref<1x128xi32, #tpu.memory_space<vmem>>
      %dma_wait3A_544 = tpu.memref_squeeze %dma_wait3A_543 : memref<1x128xi32, #tpu.memory_space<vmem>> -> memref<128xi32, #tpu.memory_space<vmem>>
      %dma_wait3A_545 = arith.constant 0 : i32
      %dma_wait3A_546 = arith.constant 0 : i32
      %dma_wait3A_547 = tpu.memref_slice %arg3[%dma_wait3A_545, %dma_wait3A_546] : memref<1000000x64xf32, #tpu.memory_space<hbm>> -> memref<1000000x64xf32, #tpu.memory_space<hbm>>
      tpu.wait_indirect_dma semaphore(%arg9 : memref<!tpu.dma_semaphore, #tpu.memory_space<semaphore_mem>>) src(%dma_wait3A_547 : memref<1000000x64xf32, #tpu.memory_space<hbm>>) dst(%dma_wait3A_541 : memref<128x64xf32, #tpu.memory_space<vmem>>)
      %mul3A_548 = arith.constant 2 : i32
      %mul3A_549 = arith.muli %add3A_444, %mul3A_548 : i32
      %add3A_550 = arith.constant 0 : i32
      %add3A_551 = arith.addi %mul3A_549, %add3A_550 : i32
      %mul3A_552 = arith.constant 128 : i32
      %mul3A_553 = arith.muli %add3A_551, %mul3A_552 : i32
      %add3A_554 = arith.addi %mul3A_2, %mul3A_553 : i32
      %dma_start3A_555 = arith.constant 4 : i32
      %dma_start3A_556 = arith.constant 0 : i32
      %dma_start3A_557 = arith.constant 0 : i32
      %dma_start3A_558 = tpu.memref_slice %arg6[%dma_start3A_555, %dma_start3A_556, %dma_start3A_557] : memref<8x128x64xf32, #tpu.memory_space<vmem>> -> memref<1x128x64xf32, #tpu.memory_space<vmem>>
      %dma_start3A_559 = tpu.memref_squeeze %dma_start3A_558 : memref<1x128x64xf32, #tpu.memory_space<vmem>> -> memref<128x64xf32, #tpu.memory_space<vmem>>
      %dma_start3A_560 = arith.constant 0 : i32
      %dma_start3A_561 = tpu.memref_slice %arg4[%add3A_554, %dma_start3A_560] : memref<819200x128xf32, #tpu.memory_space<hbm>> -> memref<128x64xf32, #tpu.memory_space<hbm>>
      %dma_start3A_562 = arith.constant 0 : i32
      %dma_start3A_563 = tpu.memref_slice %arg4[%add3A_554, %dma_start3A_562] : memref<819200x128xf32, #tpu.memory_space<hbm>> -> memref<128x64xf32, #tpu.memory_space<hbm>>
      %dma_start3A_564 = arith.constant 0 : i32
      %dma_start3A_565 = arith.constant 0 : i32
      %dma_start3A_566 = tpu.memref_slice %arg6[%dma_start3A_555, %dma_start3A_564, %dma_start3A_565] : memref<8x128x64xf32, #tpu.memory_space<vmem>> -> memref<1x128x64xf32, #tpu.memory_space<vmem>>
      %dma_start3A_567 = tpu.memref_squeeze %dma_start3A_566 : memref<1x128x64xf32, #tpu.memory_space<vmem>> -> memref<128x64xf32, #tpu.memory_space<vmem>>
      tpu.enqueue_dma source(%dma_start3A_567 : memref<128x64xf32, #tpu.memory_space<vmem>>) target(%dma_start3A_563 : memref<128x64xf32, #tpu.memory_space<hbm>>) target_semaphore(%arg13 : memref<!tpu.dma_semaphore, #tpu.memory_space<semaphore_mem>>)
      %mul3A_568 = arith.constant 2 : i32
      %mul3A_569 = arith.muli %add3A_444, %mul3A_568 : i32
      %add3A_570 = arith.constant 1 : i32
      %add3A_571 = arith.addi %mul3A_569, %add3A_570 : i32
      %mul3A_572 = arith.constant 128 : i32
      %mul3A_573 = arith.muli %add3A_571, %mul3A_572 : i32
      %add3A_574 = arith.addi %mul3A_2, %mul3A_573 : i32
      %dma_start3A_575 = arith.constant 5 : i32
      %dma_start3A_576 = arith.constant 0 : i32
      %dma_start3A_577 = arith.constant 0 : i32
      %dma_start3A_578 = tpu.memref_slice %arg6[%dma_start3A_575, %dma_start3A_576, %dma_start3A_577] : memref<8x128x64xf32, #tpu.memory_space<vmem>> -> memref<1x128x64xf32, #tpu.memory_space<vmem>>
      %dma_start3A_579 = tpu.memref_squeeze %dma_start3A_578 : memref<1x128x64xf32, #tpu.memory_space<vmem>> -> memref<128x64xf32, #tpu.memory_space<vmem>>
      %dma_start3A_580 = arith.constant 0 : i32
      %dma_start3A_581 = tpu.memref_slice %arg4[%add3A_574, %dma_start3A_580] : memref<819200x128xf32, #tpu.memory_space<hbm>> -> memref<128x64xf32, #tpu.memory_space<hbm>>
      %dma_start3A_582 = arith.constant 0 : i32
      %dma_start3A_583 = tpu.memref_slice %arg4[%add3A_574, %dma_start3A_582] : memref<819200x128xf32, #tpu.memory_space<hbm>> -> memref<128x64xf32, #tpu.memory_space<hbm>>
      %dma_start3A_584 = arith.constant 0 : i32
      %dma_start3A_585 = arith.constant 0 : i32
      %dma_start3A_586 = tpu.memref_slice %arg6[%dma_start3A_575, %dma_start3A_584, %dma_start3A_585] : memref<8x128x64xf32, #tpu.memory_space<vmem>> -> memref<1x128x64xf32, #tpu.memory_space<vmem>>
      %dma_start3A_587 = tpu.memref_squeeze %dma_start3A_586 : memref<1x128x64xf32, #tpu.memory_space<vmem>> -> memref<128x64xf32, #tpu.memory_space<vmem>>
      tpu.enqueue_dma source(%dma_start3A_587 : memref<128x64xf32, #tpu.memory_space<vmem>>) target(%dma_start3A_583 : memref<128x64xf32, #tpu.memory_space<hbm>>) target_semaphore(%arg13 : memref<!tpu.dma_semaphore, #tpu.memory_space<semaphore_mem>>)
      %add3A_588 = arith.constant 1 : i32
      %add3A_589 = arith.addi %add3A_442, %add3A_588 : i32
      %sub3A_590 = arith.constant 2 : i32
      %sub3A_591 = arith.subi %add3A_589, %sub3A_590 : i32
      %mul3A_592 = arith.constant 2 : i32
      %mul3A_593 = arith.muli %sub3A_591, %mul3A_592 : i32
      %add3A_594 = arith.constant 0 : i32
      %add3A_595 = arith.addi %mul3A_593, %add3A_594 : i32
      %mul3A_596 = arith.constant 128 : i32
      %mul3A_597 = arith.muli %add3A_595, %mul3A_596 : i32
      %add3A_598 = arith.addi %mul3A_2, %mul3A_597 : i32
      %dma_wait3A_599 = arith.constant 2 : i32
      %dma_wait3A_600 = arith.constant 0 : i32
      %dma_wait3A_601 = arith.constant 0 : i32
      %dma_wait3A_602 = tpu.memref_slice %arg6[%dma_wait3A_599, %dma_wait3A_600, %dma_wait3A_601] : memref<8x128x64xf32, #tpu.memory_space<vmem>> -> memref<1x128x64xf32, #tpu.memory_space<vmem>>
      %dma_wait3A_603 = tpu.memref_squeeze %dma_wait3A_602 : memref<1x128x64xf32, #tpu.memory_space<vmem>> -> memref<128x64xf32, #tpu.memory_space<vmem>>
      %dma_wait3A_604 = arith.constant 0 : i32
      %dma_wait3A_605 = tpu.memref_slice %arg4[%add3A_598, %dma_wait3A_604] : memref<819200x128xf32, #tpu.memory_space<hbm>> -> memref<128x64xf32, #tpu.memory_space<hbm>>
      %dma_wait3A_606 = arith.constant 0 : i32
      %dma_wait3A_607 = tpu.memref_slice %arg4[%add3A_598, %dma_wait3A_606] : memref<819200x128xf32, #tpu.memory_space<hbm>> -> memref<128x64xf32, #tpu.memory_space<hbm>>
      %dma_wait3A_608 = arith.constant 0 : i32
      %dma_wait3A_609 = arith.constant 0 : i32
      %dma_wait3A_610 = tpu.memref_slice %arg6[%dma_wait3A_599, %dma_wait3A_608, %dma_wait3A_609] : memref<8x128x64xf32, #tpu.memory_space<vmem>> -> memref<1x128x64xf32, #tpu.memory_space<vmem>>
      %dma_wait3A_611 = tpu.memref_squeeze %dma_wait3A_610 : memref<1x128x64xf32, #tpu.memory_space<vmem>> -> memref<128x64xf32, #tpu.memory_space<vmem>>
      tpu.wait_dma2 semaphore(%arg12 : memref<!tpu.dma_semaphore, #tpu.memory_space<semaphore_mem>>) src(%dma_wait3A_611 : memref<128x64xf32, #tpu.memory_space<vmem>>) dst(%dma_wait3A_607 : memref<128x64xf32, #tpu.memory_space<hbm>>)
      %mul3A_612 = arith.constant 2 : i32
      %mul3A_613 = arith.muli %sub3A_591, %mul3A_612 : i32
      %add3A_614 = arith.constant 1 : i32
      %add3A_615 = arith.addi %mul3A_613, %add3A_614 : i32
      %mul3A_616 = arith.constant 128 : i32
      %mul3A_617 = arith.muli %add3A_615, %mul3A_616 : i32
      %add3A_618 = arith.addi %mul3A_2, %mul3A_617 : i32
      %dma_wait3A_619 = arith.constant 3 : i32
      %dma_wait3A_620 = arith.constant 0 : i32
      %dma_wait3A_621 = arith.constant 0 : i32
      %dma_wait3A_622 = tpu.memref_slice %arg6[%dma_wait3A_619, %dma_wait3A_620, %dma_wait3A_621] : memref<8x128x64xf32, #tpu.memory_space<vmem>> -> memref<1x128x64xf32, #tpu.memory_space<vmem>>
      %dma_wait3A_623 = tpu.memref_squeeze %dma_wait3A_622 : memref<1x128x64xf32, #tpu.memory_space<vmem>> -> memref<128x64xf32, #tpu.memory_space<vmem>>
      %dma_wait3A_624 = arith.constant 0 : i32
      %dma_wait3A_625 = tpu.memref_slice %arg4[%add3A_618, %dma_wait3A_624] : memref<819200x128xf32, #tpu.memory_space<hbm>> -> memref<128x64xf32, #tpu.memory_space<hbm>>
      %dma_wait3A_626 = arith.constant 0 : i32
      %dma_wait3A_627 = tpu.memref_slice %arg4[%add3A_618, %dma_wait3A_626] : memref<819200x128xf32, #tpu.memory_space<hbm>> -> memref<128x64xf32, #tpu.memory_space<hbm>>
      %dma_wait3A_628 = arith.constant 0 : i32
      %dma_wait3A_629 = arith.constant 0 : i32
      %dma_wait3A_630 = tpu.memref_slice %arg6[%dma_wait3A_619, %dma_wait3A_628, %dma_wait3A_629] : memref<8x128x64xf32, #tpu.memory_space<vmem>> -> memref<1x128x64xf32, #tpu.memory_space<vmem>>
      %dma_wait3A_631 = tpu.memref_squeeze %dma_wait3A_630 : memref<1x128x64xf32, #tpu.memory_space<vmem>> -> memref<128x64xf32, #tpu.memory_space<vmem>>
      tpu.wait_dma2 semaphore(%arg12 : memref<!tpu.dma_semaphore, #tpu.memory_space<semaphore_mem>>) src(%dma_wait3A_631 : memref<128x64xf32, #tpu.memory_space<vmem>>) dst(%dma_wait3A_627 : memref<128x64xf32, #tpu.memory_space<hbm>>)
      %add3A_632 = arith.constant 2 : i32
      %add3A_633 = arith.addi %add3A_589, %add3A_632 : i32
      %mul3A_634 = arith.constant 2 : i32
      %mul3A_635 = arith.muli %add3A_633, %mul3A_634 : i32
      %add3A_636 = arith.constant 0 : i32
      %add3A_637 = arith.addi %mul3A_635, %add3A_636 : i32
      %dma_start3A_638 = arith.constant 2 : i32
      %dma_start3A_639 = arith.constant 0 : i32
      %dma_start3A_640 = arith.constant 0 : i32
      %dma_start3A_641 = tpu.memref_slice %arg6[%dma_start3A_638, %dma_start3A_639, %dma_start3A_640] : memref<8x128x64xf32, #tpu.memory_space<vmem>> -> memref<1x128x64xf32, #tpu.memory_space<vmem>>
      %dma_start3A_642 = tpu.memref_squeeze %dma_start3A_641 : memref<1x128x64xf32, #tpu.memory_space<vmem>> -> memref<128x64xf32, #tpu.memory_space<vmem>>
      %dma_start3A_643 = arith.constant 0 : i32
      %dma_start3A_644 = tpu.memref_slice %arg5[%add3A_637, %dma_start3A_643] : memref<200x128xi32, #tpu.memory_space<vmem>> -> memref<1x128xi32, #tpu.memory_space<vmem>>
      %dma_start3A_645 = tpu.memref_squeeze %dma_start3A_644 : memref<1x128xi32, #tpu.memory_space<vmem>> -> memref<128xi32, #tpu.memory_space<vmem>>
      %dma_start3A_646 = arith.constant 0 : i32
      %dma_start3A_647 = arith.constant 0 : i32
      %dma_start3A_648 = tpu.memref_slice %arg3[%dma_start3A_646, %dma_start3A_647] : memref<1000000x64xf32, #tpu.memory_space<hbm>> -> memref<1000000x64xf32, #tpu.memory_space<hbm>>
      tpu.enqueue_indirect_dma source(%dma_start3A_648 : memref<1000000x64xf32, #tpu.memory_space<hbm>>) target(%dma_start3A_642 : memref<128x64xf32, #tpu.memory_space<vmem>>) offsets(%dma_start3A_645 : memref<128xi32, #tpu.memory_space<vmem>>) semaphore(%arg8 : memref<!tpu.dma_semaphore, #tpu.memory_space<semaphore_mem>>)
      %mul3A_649 = arith.constant 2 : i32
      %mul3A_650 = arith.muli %add3A_633, %mul3A_649 : i32
      %add3A_651 = arith.constant 1 : i32
      %add3A_652 = arith.addi %mul3A_650, %add3A_651 : i32
      %dma_start3A_653 = arith.constant 3 : i32
      %dma_start3A_654 = arith.constant 0 : i32
      %dma_start3A_655 = arith.constant 0 : i32
      %dma_start3A_656 = tpu.memref_slice %arg6[%dma_start3A_653, %dma_start3A_654, %dma_start3A_655] : memref<8x128x64xf32, #tpu.memory_space<vmem>> -> memref<1x128x64xf32, #tpu.memory_space<vmem>>
      %dma_start3A_657 = tpu.memref_squeeze %dma_start3A_656 : memref<1x128x64xf32, #tpu.memory_space<vmem>> -> memref<128x64xf32, #tpu.memory_space<vmem>>
      %dma_start3A_658 = arith.constant 0 : i32
      %dma_start3A_659 = tpu.memref_slice %arg5[%add3A_652, %dma_start3A_658] : memref<200x128xi32, #tpu.memory_space<vmem>> -> memref<1x128xi32, #tpu.memory_space<vmem>>
      %dma_start3A_660 = tpu.memref_squeeze %dma_start3A_659 : memref<1x128xi32, #tpu.memory_space<vmem>> -> memref<128xi32, #tpu.memory_space<vmem>>
      %dma_start3A_661 = arith.constant 0 : i32
      %dma_start3A_662 = arith.constant 0 : i32
      %dma_start3A_663 = tpu.memref_slice %arg3[%dma_start3A_661, %dma_start3A_662] : memref<1000000x64xf32, #tpu.memory_space<hbm>> -> memref<1000000x64xf32, #tpu.memory_space<hbm>>
      tpu.enqueue_indirect_dma source(%dma_start3A_663 : memref<1000000x64xf32, #tpu.memory_space<hbm>>) target(%dma_start3A_657 : memref<128x64xf32, #tpu.memory_space<vmem>>) offsets(%dma_start3A_660 : memref<128xi32, #tpu.memory_space<vmem>>) semaphore(%arg8 : memref<!tpu.dma_semaphore, #tpu.memory_space<semaphore_mem>>)
      %mul3A_664 = arith.constant 2 : i32
      %mul3A_665 = arith.muli %add3A_589, %mul3A_664 : i32
      %add3A_666 = arith.constant 0 : i32
      %add3A_667 = arith.addi %mul3A_665, %add3A_666 : i32
      %dma_wait3A_668 = arith.constant 6 : i32
      %dma_wait3A_669 = arith.constant 0 : i32
      %dma_wait3A_670 = arith.constant 0 : i32
      %dma_wait3A_671 = tpu.memref_slice %arg6[%dma_wait3A_668, %dma_wait3A_669, %dma_wait3A_670] : memref<8x128x64xf32, #tpu.memory_space<vmem>> -> memref<1x128x64xf32, #tpu.memory_space<vmem>>
      %dma_wait3A_672 = tpu.memref_squeeze %dma_wait3A_671 : memref<1x128x64xf32, #tpu.memory_space<vmem>> -> memref<128x64xf32, #tpu.memory_space<vmem>>
      %dma_wait3A_673 = arith.constant 0 : i32
      %dma_wait3A_674 = tpu.memref_slice %arg5[%add3A_667, %dma_wait3A_673] : memref<200x128xi32, #tpu.memory_space<vmem>> -> memref<1x128xi32, #tpu.memory_space<vmem>>
      %dma_wait3A_675 = tpu.memref_squeeze %dma_wait3A_674 : memref<1x128xi32, #tpu.memory_space<vmem>> -> memref<128xi32, #tpu.memory_space<vmem>>
      %dma_wait3A_676 = arith.constant 0 : i32
      %dma_wait3A_677 = arith.constant 0 : i32
      %dma_wait3A_678 = tpu.memref_slice %arg3[%dma_wait3A_676, %dma_wait3A_677] : memref<1000000x64xf32, #tpu.memory_space<hbm>> -> memref<1000000x64xf32, #tpu.memory_space<hbm>>
      tpu.wait_indirect_dma semaphore(%arg10 : memref<!tpu.dma_semaphore, #tpu.memory_space<semaphore_mem>>) src(%dma_wait3A_678 : memref<1000000x64xf32, #tpu.memory_space<hbm>>) dst(%dma_wait3A_672 : memref<128x64xf32, #tpu.memory_space<vmem>>)
      %mul3A_679 = arith.constant 2 : i32
      %mul3A_680 = arith.muli %add3A_589, %mul3A_679 : i32
      %add3A_681 = arith.constant 1 : i32
      %add3A_682 = arith.addi %mul3A_680, %add3A_681 : i32
      %dma_wait3A_683 = arith.constant 7 : i32
      %dma_wait3A_684 = arith.constant 0 : i32
      %dma_wait3A_685 = arith.constant 0 : i32
      %dma_wait3A_686 = tpu.memref_slice %arg6[%dma_wait3A_683, %dma_wait3A_684, %dma_wait3A_685] : memref<8x128x64xf32, #tpu.memory_space<vmem>> -> memref<1x128x64xf32, #tpu.memory_space<vmem>>
      %dma_wait3A_687 = tpu.memref_squeeze %dma_wait3A_686 : memref<1x128x64xf32, #tpu.memory_space<vmem>> -> memref<128x64xf32, #tpu.memory_space<vmem>>
      %dma_wait3A_688 = arith.constant 0 : i32
      %dma_wait3A_689 = tpu.memref_slice %arg5[%add3A_682, %dma_wait3A_688] : memref<200x128xi32, #tpu.memory_space<vmem>> -> memref<1x128xi32, #tpu.memory_space<vmem>>
      %dma_wait3A_690 = tpu.memref_squeeze %dma_wait3A_689 : memref<1x128xi32, #tpu.memory_space<vmem>> -> memref<128xi32, #tpu.memory_space<vmem>>
      %dma_wait3A_691 = arith.constant 0 : i32
      %dma_wait3A_692 = arith.constant 0 : i32
      %dma_wait3A_693 = tpu.memref_slice %arg3[%dma_wait3A_691, %dma_wait3A_692] : memref<1000000x64xf32, #tpu.memory_space<hbm>> -> memref<1000000x64xf32, #tpu.memory_space<hbm>>
      tpu.wait_indirect_dma semaphore(%arg10 : memref<!tpu.dma_semaphore, #tpu.memory_space<semaphore_mem>>) src(%dma_wait3A_693 : memref<1000000x64xf32, #tpu.memory_space<hbm>>) dst(%dma_wait3A_687 : memref<128x64xf32, #tpu.memory_space<vmem>>)
      %mul3A_694 = arith.constant 2 : i32
      %mul3A_695 = arith.muli %add3A_589, %mul3A_694 : i32
      %add3A_696 = arith.constant 0 : i32
      %add3A_697 = arith.addi %mul3A_695, %add3A_696 : i32
      %mul3A_698 = arith.constant 128 : i32
      %mul3A_699 = arith.muli %add3A_697, %mul3A_698 : i32
      %add3A_700 = arith.addi %mul3A_2, %mul3A_699 : i32
      %dma_start3A_701 = arith.constant 6 : i32
      %dma_start3A_702 = arith.constant 0 : i32
      %dma_start3A_703 = arith.constant 0 : i32
      %dma_start3A_704 = tpu.memref_slice %arg6[%dma_start3A_701, %dma_start3A_702, %dma_start3A_703] : memref<8x128x64xf32, #tpu.memory_space<vmem>> -> memref<1x128x64xf32, #tpu.memory_space<vmem>>
      %dma_start3A_705 = tpu.memref_squeeze %dma_start3A_704 : memref<1x128x64xf32, #tpu.memory_space<vmem>> -> memref<128x64xf32, #tpu.memory_space<vmem>>
      %dma_start3A_706 = arith.constant 0 : i32
      %dma_start3A_707 = tpu.memref_slice %arg4[%add3A_700, %dma_start3A_706] : memref<819200x128xf32, #tpu.memory_space<hbm>> -> memref<128x64xf32, #tpu.memory_space<hbm>>
      %dma_start3A_708 = arith.constant 0 : i32
      %dma_start3A_709 = tpu.memref_slice %arg4[%add3A_700, %dma_start3A_708] : memref<819200x128xf32, #tpu.memory_space<hbm>> -> memref<128x64xf32, #tpu.memory_space<hbm>>
      %dma_start3A_710 = arith.constant 0 : i32
      %dma_start3A_711 = arith.constant 0 : i32
      %dma_start3A_712 = tpu.memref_slice %arg6[%dma_start3A_701, %dma_start3A_710, %dma_start3A_711] : memref<8x128x64xf32, #tpu.memory_space<vmem>> -> memref<1x128x64xf32, #tpu.memory_space<vmem>>
      %dma_start3A_713 = tpu.memref_squeeze %dma_start3A_712 : memref<1x128x64xf32, #tpu.memory_space<vmem>> -> memref<128x64xf32, #tpu.memory_space<vmem>>
      tpu.enqueue_dma source(%dma_start3A_713 : memref<128x64xf32, #tpu.memory_space<vmem>>) target(%dma_start3A_709 : memref<128x64xf32, #tpu.memory_space<hbm>>) target_semaphore(%arg14 : memref<!tpu.dma_semaphore, #tpu.memory_space<semaphore_mem>>)
      %mul3A_714 = arith.constant 2 : i32
      %mul3A_715 = arith.muli %add3A_589, %mul3A_714 : i32
      %add3A_716 = arith.constant 1 : i32
      %add3A_717 = arith.addi %mul3A_715, %add3A_716 : i32
      %mul3A_718 = arith.constant 128 : i32
      %mul3A_719 = arith.muli %add3A_717, %mul3A_718 : i32
      %add3A_720 = arith.addi %mul3A_2, %mul3A_719 : i32
      %dma_start3A_721 = arith.constant 7 : i32
      %dma_start3A_722 = arith.constant 0 : i32
      %dma_start3A_723 = arith.constant 0 : i32
      %dma_start3A_724 = tpu.memref_slice %arg6[%dma_start3A_721, %dma_start3A_722, %dma_start3A_723] : memref<8x128x64xf32, #tpu.memory_space<vmem>> -> memref<1x128x64xf32, #tpu.memory_space<vmem>>
      %dma_start3A_725 = tpu.memref_squeeze %dma_start3A_724 : memref<1x128x64xf32, #tpu.memory_space<vmem>> -> memref<128x64xf32, #tpu.memory_space<vmem>>
      %dma_start3A_726 = arith.constant 0 : i32
      %dma_start3A_727 = tpu.memref_slice %arg4[%add3A_720, %dma_start3A_726] : memref<819200x128xf32, #tpu.memory_space<hbm>> -> memref<128x64xf32, #tpu.memory_space<hbm>>
      %dma_start3A_728 = arith.constant 0 : i32
      %dma_start3A_729 = tpu.memref_slice %arg4[%add3A_720, %dma_start3A_728] : memref<819200x128xf32, #tpu.memory_space<hbm>> -> memref<128x64xf32, #tpu.memory_space<hbm>>
      %dma_start3A_730 = arith.constant 0 : i32
      %dma_start3A_731 = arith.constant 0 : i32
      %dma_start3A_732 = tpu.memref_slice %arg6[%dma_start3A_721, %dma_start3A_730, %dma_start3A_731] : memref<8x128x64xf32, #tpu.memory_space<vmem>> -> memref<1x128x64xf32, #tpu.memory_space<vmem>>
      %dma_start3A_733 = tpu.memref_squeeze %dma_start3A_732 : memref<1x128x64xf32, #tpu.memory_space<vmem>> -> memref<128x64xf32, #tpu.memory_space<vmem>>
      tpu.enqueue_dma source(%dma_start3A_733 : memref<128x64xf32, #tpu.memory_space<vmem>>) target(%dma_start3A_729 : memref<128x64xf32, #tpu.memory_space<hbm>>) target_semaphore(%arg14 : memref<!tpu.dma_semaphore, #tpu.memory_space<semaphore_mem>>)
      %add3A_734 = arith.constant 2 : i32
      %add3A_735 = arith.addi %add3A_442, %add3A_734 : i32
      %sub3A_736 = arith.constant 2 : i32
      %sub3A_737 = arith.subi %add3A_735, %sub3A_736 : i32
      %mul3A_738 = arith.constant 2 : i32
      %mul3A_739 = arith.muli %sub3A_737, %mul3A_738 : i32
      %add3A_740 = arith.constant 0 : i32
      %add3A_741 = arith.addi %mul3A_739, %add3A_740 : i32
      %mul3A_742 = arith.constant 128 : i32
      %mul3A_743 = arith.muli %add3A_741, %mul3A_742 : i32
      %add3A_744 = arith.addi %mul3A_2, %mul3A_743 : i32
      %dma_wait3A_745 = arith.constant 4 : i32
      %dma_wait3A_746 = arith.constant 0 : i32
      %dma_wait3A_747 = arith.constant 0 : i32
      %dma_wait3A_748 = tpu.memref_slice %arg6[%dma_wait3A_745, %dma_wait3A_746, %dma_wait3A_747] : memref<8x128x64xf32, #tpu.memory_space<vmem>> -> memref<1x128x64xf32, #tpu.memory_space<vmem>>
      %dma_wait3A_749 = tpu.memref_squeeze %dma_wait3A_748 : memref<1x128x64xf32, #tpu.memory_space<vmem>> -> memref<128x64xf32, #tpu.memory_space<vmem>>
      %dma_wait3A_750 = arith.constant 0 : i32
      %dma_wait3A_751 = tpu.memref_slice %arg4[%add3A_744, %dma_wait3A_750] : memref<819200x128xf32, #tpu.memory_space<hbm>> -> memref<128x64xf32, #tpu.memory_space<hbm>>
      %dma_wait3A_752 = arith.constant 0 : i32
      %dma_wait3A_753 = tpu.memref_slice %arg4[%add3A_744, %dma_wait3A_752] : memref<819200x128xf32, #tpu.memory_space<hbm>> -> memref<128x64xf32, #tpu.memory_space<hbm>>
      %dma_wait3A_754 = arith.constant 0 : i32
      %dma_wait3A_755 = arith.constant 0 : i32
      %dma_wait3A_756 = tpu.memref_slice %arg6[%dma_wait3A_745, %dma_wait3A_754, %dma_wait3A_755] : memref<8x128x64xf32, #tpu.memory_space<vmem>> -> memref<1x128x64xf32, #tpu.memory_space<vmem>>
      %dma_wait3A_757 = tpu.memref_squeeze %dma_wait3A_756 : memref<1x128x64xf32, #tpu.memory_space<vmem>> -> memref<128x64xf32, #tpu.memory_space<vmem>>
      tpu.wait_dma2 semaphore(%arg13 : memref<!tpu.dma_semaphore, #tpu.memory_space<semaphore_mem>>) src(%dma_wait3A_757 : memref<128x64xf32, #tpu.memory_space<vmem>>) dst(%dma_wait3A_753 : memref<128x64xf32, #tpu.memory_space<hbm>>)
      %mul3A_758 = arith.constant 2 : i32
      %mul3A_759 = arith.muli %sub3A_737, %mul3A_758 : i32
      %add3A_760 = arith.constant 1 : i32
      %add3A_761 = arith.addi %mul3A_759, %add3A_760 : i32
      %mul3A_762 = arith.constant 128 : i32
      %mul3A_763 = arith.muli %add3A_761, %mul3A_762 : i32
      %add3A_764 = arith.addi %mul3A_2, %mul3A_763 : i32
      %dma_wait3A_765 = arith.constant 5 : i32
      %dma_wait3A_766 = arith.constant 0 : i32
      %dma_wait3A_767 = arith.constant 0 : i32
      %dma_wait3A_768 = tpu.memref_slice %arg6[%dma_wait3A_765, %dma_wait3A_766, %dma_wait3A_767] : memref<8x128x64xf32, #tpu.memory_space<vmem>> -> memref<1x128x64xf32, #tpu.memory_space<vmem>>
      %dma_wait3A_769 = tpu.memref_squeeze %dma_wait3A_768 : memref<1x128x64xf32, #tpu.memory_space<vmem>> -> memref<128x64xf32, #tpu.memory_space<vmem>>
      %dma_wait3A_770 = arith.constant 0 : i32
      %dma_wait3A_771 = tpu.memref_slice %arg4[%add3A_764, %dma_wait3A_770] : memref<819200x128xf32, #tpu.memory_space<hbm>> -> memref<128x64xf32, #tpu.memory_space<hbm>>
      %dma_wait3A_772 = arith.constant 0 : i32
      %dma_wait3A_773 = tpu.memref_slice %arg4[%add3A_764, %dma_wait3A_772] : memref<819200x128xf32, #tpu.memory_space<hbm>> -> memref<128x64xf32, #tpu.memory_space<hbm>>
      %dma_wait3A_774 = arith.constant 0 : i32
      %dma_wait3A_775 = arith.constant 0 : i32
      %dma_wait3A_776 = tpu.memref_slice %arg6[%dma_wait3A_765, %dma_wait3A_774, %dma_wait3A_775] : memref<8x128x64xf32, #tpu.memory_space<vmem>> -> memref<1x128x64xf32, #tpu.memory_space<vmem>>
      %dma_wait3A_777 = tpu.memref_squeeze %dma_wait3A_776 : memref<1x128x64xf32, #tpu.memory_space<vmem>> -> memref<128x64xf32, #tpu.memory_space<vmem>>
      tpu.wait_dma2 semaphore(%arg13 : memref<!tpu.dma_semaphore, #tpu.memory_space<semaphore_mem>>) src(%dma_wait3A_777 : memref<128x64xf32, #tpu.memory_space<vmem>>) dst(%dma_wait3A_773 : memref<128x64xf32, #tpu.memory_space<hbm>>)
      %add3A_778 = arith.constant 2 : i32
      %add3A_779 = arith.addi %add3A_735, %add3A_778 : i32
      %mul3A_780 = arith.constant 2 : i32
      %mul3A_781 = arith.muli %add3A_779, %mul3A_780 : i32
      %add3A_782 = arith.constant 0 : i32
      %add3A_783 = arith.addi %mul3A_781, %add3A_782 : i32
      %dma_start3A_784 = arith.constant 4 : i32
      %dma_start3A_785 = arith.constant 0 : i32
      %dma_start3A_786 = arith.constant 0 : i32
      %dma_start3A_787 = tpu.memref_slice %arg6[%dma_start3A_784, %dma_start3A_785, %dma_start3A_786] : memref<8x128x64xf32, #tpu.memory_space<vmem>> -> memref<1x128x64xf32, #tpu.memory_space<vmem>>
      %dma_start3A_788 = tpu.memref_squeeze %dma_start3A_787 : memref<1x128x64xf32, #tpu.memory_space<vmem>> -> memref<128x64xf32, #tpu.memory_space<vmem>>
      %dma_start3A_789 = arith.constant 0 : i32
      %dma_start3A_790 = tpu.memref_slice %arg5[%add3A_783, %dma_start3A_789] : memref<200x128xi32, #tpu.memory_space<vmem>> -> memref<1x128xi32, #tpu.memory_space<vmem>>
      %dma_start3A_791 = tpu.memref_squeeze %dma_start3A_790 : memref<1x128xi32, #tpu.memory_space<vmem>> -> memref<128xi32, #tpu.memory_space<vmem>>
      %dma_start3A_792 = arith.constant 0 : i32
      %dma_start3A_793 = arith.constant 0 : i32
      %dma_start3A_794 = tpu.memref_slice %arg3[%dma_start3A_792, %dma_start3A_793] : memref<1000000x64xf32, #tpu.memory_space<hbm>> -> memref<1000000x64xf32, #tpu.memory_space<hbm>>
      tpu.enqueue_indirect_dma source(%dma_start3A_794 : memref<1000000x64xf32, #tpu.memory_space<hbm>>) target(%dma_start3A_788 : memref<128x64xf32, #tpu.memory_space<vmem>>) offsets(%dma_start3A_791 : memref<128xi32, #tpu.memory_space<vmem>>) semaphore(%arg9 : memref<!tpu.dma_semaphore, #tpu.memory_space<semaphore_mem>>)
      %mul3A_795 = arith.constant 2 : i32
      %mul3A_796 = arith.muli %add3A_779, %mul3A_795 : i32
      %add3A_797 = arith.constant 1 : i32
      %add3A_798 = arith.addi %mul3A_796, %add3A_797 : i32
      %dma_start3A_799 = arith.constant 5 : i32
      %dma_start3A_800 = arith.constant 0 : i32
      %dma_start3A_801 = arith.constant 0 : i32
      %dma_start3A_802 = tpu.memref_slice %arg6[%dma_start3A_799, %dma_start3A_800, %dma_start3A_801] : memref<8x128x64xf32, #tpu.memory_space<vmem>> -> memref<1x128x64xf32, #tpu.memory_space<vmem>>
      %dma_start3A_803 = tpu.memref_squeeze %dma_start3A_802 : memref<1x128x64xf32, #tpu.memory_space<vmem>> -> memref<128x64xf32, #tpu.memory_space<vmem>>
      %dma_start3A_804 = arith.constant 0 : i32
      %dma_start3A_805 = tpu.memref_slice %arg5[%add3A_798, %dma_start3A_804] : memref<200x128xi32, #tpu.memory_space<vmem>> -> memref<1x128xi32, #tpu.memory_space<vmem>>
      %dma_start3A_806 = tpu.memref_squeeze %dma_start3A_805 : memref<1x128xi32, #tpu.memory_space<vmem>> -> memref<128xi32, #tpu.memory_space<vmem>>
      %dma_start3A_807 = arith.constant 0 : i32
      %dma_start3A_808 = arith.constant 0 : i32
      %dma_start3A_809 = tpu.memref_slice %arg3[%dma_start3A_807, %dma_start3A_808] : memref<1000000x64xf32, #tpu.memory_space<hbm>> -> memref<1000000x64xf32, #tpu.memory_space<hbm>>
      tpu.enqueue_indirect_dma source(%dma_start3A_809 : memref<1000000x64xf32, #tpu.memory_space<hbm>>) target(%dma_start3A_803 : memref<128x64xf32, #tpu.memory_space<vmem>>) offsets(%dma_start3A_806 : memref<128xi32, #tpu.memory_space<vmem>>) semaphore(%arg9 : memref<!tpu.dma_semaphore, #tpu.memory_space<semaphore_mem>>)
      %mul3A_810 = arith.constant 2 : i32
      %mul3A_811 = arith.muli %add3A_735, %mul3A_810 : i32
      %add3A_812 = arith.constant 0 : i32
      %add3A_813 = arith.addi %mul3A_811, %add3A_812 : i32
      %dma_wait3A_814 = arith.constant 0 : i32
      %dma_wait3A_815 = arith.constant 0 : i32
      %dma_wait3A_816 = arith.constant 0 : i32
      %dma_wait3A_817 = tpu.memref_slice %arg6[%dma_wait3A_814, %dma_wait3A_815, %dma_wait3A_816] : memref<8x128x64xf32, #tpu.memory_space<vmem>> -> memref<1x128x64xf32, #tpu.memory_space<vmem>>
      %dma_wait3A_818 = tpu.memref_squeeze %dma_wait3A_817 : memref<1x128x64xf32, #tpu.memory_space<vmem>> -> memref<128x64xf32, #tpu.memory_space<vmem>>
      %dma_wait3A_819 = arith.constant 0 : i32
      %dma_wait3A_820 = tpu.memref_slice %arg5[%add3A_813, %dma_wait3A_819] : memref<200x128xi32, #tpu.memory_space<vmem>> -> memref<1x128xi32, #tpu.memory_space<vmem>>
      %dma_wait3A_821 = tpu.memref_squeeze %dma_wait3A_820 : memref<1x128xi32, #tpu.memory_space<vmem>> -> memref<128xi32, #tpu.memory_space<vmem>>
      %dma_wait3A_822 = arith.constant 0 : i32
      %dma_wait3A_823 = arith.constant 0 : i32
      %dma_wait3A_824 = tpu.memref_slice %arg3[%dma_wait3A_822, %dma_wait3A_823] : memref<1000000x64xf32, #tpu.memory_space<hbm>> -> memref<1000000x64xf32, #tpu.memory_space<hbm>>
      tpu.wait_indirect_dma semaphore(%arg7 : memref<!tpu.dma_semaphore, #tpu.memory_space<semaphore_mem>>) src(%dma_wait3A_824 : memref<1000000x64xf32, #tpu.memory_space<hbm>>) dst(%dma_wait3A_818 : memref<128x64xf32, #tpu.memory_space<vmem>>)
      %mul3A_825 = arith.constant 2 : i32
      %mul3A_826 = arith.muli %add3A_735, %mul3A_825 : i32
      %add3A_827 = arith.constant 1 : i32
      %add3A_828 = arith.addi %mul3A_826, %add3A_827 : i32
      %dma_wait3A_829 = arith.constant 1 : i32
      %dma_wait3A_830 = arith.constant 0 : i32
      %dma_wait3A_831 = arith.constant 0 : i32
      %dma_wait3A_832 = tpu.memref_slice %arg6[%dma_wait3A_829, %dma_wait3A_830, %dma_wait3A_831] : memref<8x128x64xf32, #tpu.memory_space<vmem>> -> memref<1x128x64xf32, #tpu.memory_space<vmem>>
      %dma_wait3A_833 = tpu.memref_squeeze %dma_wait3A_832 : memref<1x128x64xf32, #tpu.memory_space<vmem>> -> memref<128x64xf32, #tpu.memory_space<vmem>>
      %dma_wait3A_834 = arith.constant 0 : i32
      %dma_wait3A_835 = tpu.memref_slice %arg5[%add3A_828, %dma_wait3A_834] : memref<200x128xi32, #tpu.memory_space<vmem>> -> memref<1x128xi32, #tpu.memory_space<vmem>>
      %dma_wait3A_836 = tpu.memref_squeeze %dma_wait3A_835 : memref<1x128xi32, #tpu.memory_space<vmem>> -> memref<128xi32, #tpu.memory_space<vmem>>
      %dma_wait3A_837 = arith.constant 0 : i32
      %dma_wait3A_838 = arith.constant 0 : i32
      %dma_wait3A_839 = tpu.memref_slice %arg3[%dma_wait3A_837, %dma_wait3A_838] : memref<1000000x64xf32, #tpu.memory_space<hbm>> -> memref<1000000x64xf32, #tpu.memory_space<hbm>>
      tpu.wait_indirect_dma semaphore(%arg7 : memref<!tpu.dma_semaphore, #tpu.memory_space<semaphore_mem>>) src(%dma_wait3A_839 : memref<1000000x64xf32, #tpu.memory_space<hbm>>) dst(%dma_wait3A_833 : memref<128x64xf32, #tpu.memory_space<vmem>>)
      %mul3A_840 = arith.constant 2 : i32
      %mul3A_841 = arith.muli %add3A_735, %mul3A_840 : i32
      %add3A_842 = arith.constant 0 : i32
      %add3A_843 = arith.addi %mul3A_841, %add3A_842 : i32
      %mul3A_844 = arith.constant 128 : i32
      %mul3A_845 = arith.muli %add3A_843, %mul3A_844 : i32
      %add3A_846 = arith.addi %mul3A_2, %mul3A_845 : i32
      %dma_start3A_847 = arith.constant 0 : i32
      %dma_start3A_848 = arith.constant 0 : i32
      %dma_start3A_849 = arith.constant 0 : i32
      %dma_start3A_850 = tpu.memref_slice %arg6[%dma_start3A_847, %dma_start3A_848, %dma_start3A_849] : memref<8x128x64xf32, #tpu.memory_space<vmem>> -> memref<1x128x64xf32, #tpu.memory_space<vmem>>
      %dma_start3A_851 = tpu.memref_squeeze %dma_start3A_850 : memref<1x128x64xf32, #tpu.memory_space<vmem>> -> memref<128x64xf32, #tpu.memory_space<vmem>>
      %dma_start3A_852 = arith.constant 0 : i32
      %dma_start3A_853 = tpu.memref_slice %arg4[%add3A_846, %dma_start3A_852] : memref<819200x128xf32, #tpu.memory_space<hbm>> -> memref<128x64xf32, #tpu.memory_space<hbm>>
      %dma_start3A_854 = arith.constant 0 : i32
      %dma_start3A_855 = tpu.memref_slice %arg4[%add3A_846, %dma_start3A_854] : memref<819200x128xf32, #tpu.memory_space<hbm>> -> memref<128x64xf32, #tpu.memory_space<hbm>>
      %dma_start3A_856 = arith.constant 0 : i32
      %dma_start3A_857 = arith.constant 0 : i32
      %dma_start3A_858 = tpu.memref_slice %arg6[%dma_start3A_847, %dma_start3A_856, %dma_start3A_857] : memref<8x128x64xf32, #tpu.memory_space<vmem>> -> memref<1x128x64xf32, #tpu.memory_space<vmem>>
      %dma_start3A_859 = tpu.memref_squeeze %dma_start3A_858 : memref<1x128x64xf32, #tpu.memory_space<vmem>> -> memref<128x64xf32, #tpu.memory_space<vmem>>
      tpu.enqueue_dma source(%dma_start3A_859 : memref<128x64xf32, #tpu.memory_space<vmem>>) target(%dma_start3A_855 : memref<128x64xf32, #tpu.memory_space<hbm>>) target_semaphore(%arg11 : memref<!tpu.dma_semaphore, #tpu.memory_space<semaphore_mem>>)
      %mul3A_860 = arith.constant 2 : i32
      %mul3A_861 = arith.muli %add3A_735, %mul3A_860 : i32
      %add3A_862 = arith.constant 1 : i32
      %add3A_863 = arith.addi %mul3A_861, %add3A_862 : i32
      %mul3A_864 = arith.constant 128 : i32
      %mul3A_865 = arith.muli %add3A_863, %mul3A_864 : i32
      %add3A_866 = arith.addi %mul3A_2, %mul3A_865 : i32
      %dma_start3A_867 = arith.constant 1 : i32
      %dma_start3A_868 = arith.constant 0 : i32
      %dma_start3A_869 = arith.constant 0 : i32
      %dma_start3A_870 = tpu.memref_slice %arg6[%dma_start3A_867, %dma_start3A_868, %dma_start3A_869] : memref<8x128x64xf32, #tpu.memory_space<vmem>> -> memref<1x128x64xf32, #tpu.memory_space<vmem>>
      %dma_start3A_871 = tpu.memref_squeeze %dma_start3A_870 : memref<1x128x64xf32, #tpu.memory_space<vmem>> -> memref<128x64xf32, #tpu.memory_space<vmem>>
      %dma_start3A_872 = arith.constant 0 : i32
      %dma_start3A_873 = tpu.memref_slice %arg4[%add3A_866, %dma_start3A_872] : memref<819200x128xf32, #tpu.memory_space<hbm>> -> memref<128x64xf32, #tpu.memory_space<hbm>>
      %dma_start3A_874 = arith.constant 0 : i32
      %dma_start3A_875 = tpu.memref_slice %arg4[%add3A_866, %dma_start3A_874] : memref<819200x128xf32, #tpu.memory_space<hbm>> -> memref<128x64xf32, #tpu.memory_space<hbm>>
      %dma_start3A_876 = arith.constant 0 : i32
      %dma_start3A_877 = arith.constant 0 : i32
      %dma_start3A_878 = tpu.memref_slice %arg6[%dma_start3A_867, %dma_start3A_876, %dma_start3A_877] : memref<8x128x64xf32, #tpu.memory_space<vmem>> -> memref<1x128x64xf32, #tpu.memory_space<vmem>>
      %dma_start3A_879 = tpu.memref_squeeze %dma_start3A_878 : memref<1x128x64xf32, #tpu.memory_space<vmem>> -> memref<128x64xf32, #tpu.memory_space<vmem>>
      tpu.enqueue_dma source(%dma_start3A_879 : memref<128x64xf32, #tpu.memory_space<vmem>>) target(%dma_start3A_875 : memref<128x64xf32, #tpu.memory_space<hbm>>) target_semaphore(%arg11 : memref<!tpu.dma_semaphore, #tpu.memory_space<semaphore_mem>>)
      %add3A_880 = arith.constant 3 : i32
      %add3A_881 = arith.addi %add3A_442, %add3A_880 : i32
      %sub3A_882 = arith.constant 2 : i32
      %sub3A_883 = arith.subi %add3A_881, %sub3A_882 : i32
      %mul3A_884 = arith.constant 2 : i32
      %mul3A_885 = arith.muli %sub3A_883, %mul3A_884 : i32
      %add3A_886 = arith.constant 0 : i32
      %add3A_887 = arith.addi %mul3A_885, %add3A_886 : i32
      %mul3A_888 = arith.constant 128 : i32
      %mul3A_889 = arith.muli %add3A_887, %mul3A_888 : i32
      %add3A_890 = arith.addi %mul3A_2, %mul3A_889 : i32
      %dma_wait3A_891 = arith.constant 6 : i32
      %dma_wait3A_892 = arith.constant 0 : i32
      %dma_wait3A_893 = arith.constant 0 : i32
      %dma_wait3A_894 = tpu.memref_slice %arg6[%dma_wait3A_891, %dma_wait3A_892, %dma_wait3A_893] : memref<8x128x64xf32, #tpu.memory_space<vmem>> -> memref<1x128x64xf32, #tpu.memory_space<vmem>>
      %dma_wait3A_895 = tpu.memref_squeeze %dma_wait3A_894 : memref<1x128x64xf32, #tpu.memory_space<vmem>> -> memref<128x64xf32, #tpu.memory_space<vmem>>
      %dma_wait3A_896 = arith.constant 0 : i32
      %dma_wait3A_897 = tpu.memref_slice %arg4[%add3A_890, %dma_wait3A_896] : memref<819200x128xf32, #tpu.memory_space<hbm>> -> memref<128x64xf32, #tpu.memory_space<hbm>>
      %dma_wait3A_898 = arith.constant 0 : i32
      %dma_wait3A_899 = tpu.memref_slice %arg4[%add3A_890, %dma_wait3A_898] : memref<819200x128xf32, #tpu.memory_space<hbm>> -> memref<128x64xf32, #tpu.memory_space<hbm>>
      %dma_wait3A_900 = arith.constant 0 : i32
      %dma_wait3A_901 = arith.constant 0 : i32
      %dma_wait3A_902 = tpu.memref_slice %arg6[%dma_wait3A_891, %dma_wait3A_900, %dma_wait3A_901] : memref<8x128x64xf32, #tpu.memory_space<vmem>> -> memref<1x128x64xf32, #tpu.memory_space<vmem>>
      %dma_wait3A_903 = tpu.memref_squeeze %dma_wait3A_902 : memref<1x128x64xf32, #tpu.memory_space<vmem>> -> memref<128x64xf32, #tpu.memory_space<vmem>>
      tpu.wait_dma2 semaphore(%arg14 : memref<!tpu.dma_semaphore, #tpu.memory_space<semaphore_mem>>) src(%dma_wait3A_903 : memref<128x64xf32, #tpu.memory_space<vmem>>) dst(%dma_wait3A_899 : memref<128x64xf32, #tpu.memory_space<hbm>>)
      %mul3A_904 = arith.constant 2 : i32
      %mul3A_905 = arith.muli %sub3A_883, %mul3A_904 : i32
      %add3A_906 = arith.constant 1 : i32
      %add3A_907 = arith.addi %mul3A_905, %add3A_906 : i32
      %mul3A_908 = arith.constant 128 : i32
      %mul3A_909 = arith.muli %add3A_907, %mul3A_908 : i32
      %add3A_910 = arith.addi %mul3A_2, %mul3A_909 : i32
      %dma_wait3A_911 = arith.constant 7 : i32
      %dma_wait3A_912 = arith.constant 0 : i32
      %dma_wait3A_913 = arith.constant 0 : i32
      %dma_wait3A_914 = tpu.memref_slice %arg6[%dma_wait3A_911, %dma_wait3A_912, %dma_wait3A_913] : memref<8x128x64xf32, #tpu.memory_space<vmem>> -> memref<1x128x64xf32, #tpu.memory_space<vmem>>
      %dma_wait3A_915 = tpu.memref_squeeze %dma_wait3A_914 : memref<1x128x64xf32, #tpu.memory_space<vmem>> -> memref<128x64xf32, #tpu.memory_space<vmem>>
      %dma_wait3A_916 = arith.constant 0 : i32
      %dma_wait3A_917 = tpu.memref_slice %arg4[%add3A_910, %dma_wait3A_916] : memref<819200x128xf32, #tpu.memory_space<hbm>> -> memref<128x64xf32, #tpu.memory_space<hbm>>
      %dma_wait3A_918 = arith.constant 0 : i32
      %dma_wait3A_919 = tpu.memref_slice %arg4[%add3A_910, %dma_wait3A_918] : memref<819200x128xf32, #tpu.memory_space<hbm>> -> memref<128x64xf32, #tpu.memory_space<hbm>>
      %dma_wait3A_920 = arith.constant 0 : i32
      %dma_wait3A_921 = arith.constant 0 : i32
      %dma_wait3A_922 = tpu.memref_slice %arg6[%dma_wait3A_911, %dma_wait3A_920, %dma_wait3A_921] : memref<8x128x64xf32, #tpu.memory_space<vmem>> -> memref<1x128x64xf32, #tpu.memory_space<vmem>>
      %dma_wait3A_923 = tpu.memref_squeeze %dma_wait3A_922 : memref<1x128x64xf32, #tpu.memory_space<vmem>> -> memref<128x64xf32, #tpu.memory_space<vmem>>
      tpu.wait_dma2 semaphore(%arg14 : memref<!tpu.dma_semaphore, #tpu.memory_space<semaphore_mem>>) src(%dma_wait3A_923 : memref<128x64xf32, #tpu.memory_space<vmem>>) dst(%dma_wait3A_919 : memref<128x64xf32, #tpu.memory_space<hbm>>)
      %add3A_924 = arith.constant 2 : i32
      %add3A_925 = arith.addi %add3A_881, %add3A_924 : i32
      %mul3A_926 = arith.constant 2 : i32
      %mul3A_927 = arith.muli %add3A_925, %mul3A_926 : i32
      %add3A_928 = arith.constant 0 : i32
      %add3A_929 = arith.addi %mul3A_927, %add3A_928 : i32
      %dma_start3A_930 = arith.constant 6 : i32
      %dma_start3A_931 = arith.constant 0 : i32
      %dma_start3A_932 = arith.constant 0 : i32
      %dma_start3A_933 = tpu.memref_slice %arg6[%dma_start3A_930, %dma_start3A_931, %dma_start3A_932] : memref<8x128x64xf32, #tpu.memory_space<vmem>> -> memref<1x128x64xf32, #tpu.memory_space<vmem>>
      %dma_start3A_934 = tpu.memref_squeeze %dma_start3A_933 : memref<1x128x64xf32, #tpu.memory_space<vmem>> -> memref<128x64xf32, #tpu.memory_space<vmem>>
      %dma_start3A_935 = arith.constant 0 : i32
      %dma_start3A_936 = tpu.memref_slice %arg5[%add3A_929, %dma_start3A_935] : memref<200x128xi32, #tpu.memory_space<vmem>> -> memref<1x128xi32, #tpu.memory_space<vmem>>
      %dma_start3A_937 = tpu.memref_squeeze %dma_start3A_936 : memref<1x128xi32, #tpu.memory_space<vmem>> -> memref<128xi32, #tpu.memory_space<vmem>>
      %dma_start3A_938 = arith.constant 0 : i32
      %dma_start3A_939 = arith.constant 0 : i32
      %dma_start3A_940 = tpu.memref_slice %arg3[%dma_start3A_938, %dma_start3A_939] : memref<1000000x64xf32, #tpu.memory_space<hbm>> -> memref<1000000x64xf32, #tpu.memory_space<hbm>>
      tpu.enqueue_indirect_dma source(%dma_start3A_940 : memref<1000000x64xf32, #tpu.memory_space<hbm>>) target(%dma_start3A_934 : memref<128x64xf32, #tpu.memory_space<vmem>>) offsets(%dma_start3A_937 : memref<128xi32, #tpu.memory_space<vmem>>) semaphore(%arg10 : memref<!tpu.dma_semaphore, #tpu.memory_space<semaphore_mem>>)
      %mul3A_941 = arith.constant 2 : i32
      %mul3A_942 = arith.muli %add3A_925, %mul3A_941 : i32
      %add3A_943 = arith.constant 1 : i32
      %add3A_944 = arith.addi %mul3A_942, %add3A_943 : i32
      %dma_start3A_945 = arith.constant 7 : i32
      %dma_start3A_946 = arith.constant 0 : i32
      %dma_start3A_947 = arith.constant 0 : i32
      %dma_start3A_948 = tpu.memref_slice %arg6[%dma_start3A_945, %dma_start3A_946, %dma_start3A_947] : memref<8x128x64xf32, #tpu.memory_space<vmem>> -> memref<1x128x64xf32, #tpu.memory_space<vmem>>
      %dma_start3A_949 = tpu.memref_squeeze %dma_start3A_948 : memref<1x128x64xf32, #tpu.memory_space<vmem>> -> memref<128x64xf32, #tpu.memory_space<vmem>>
      %dma_start3A_950 = arith.constant 0 : i32
      %dma_start3A_951 = tpu.memref_slice %arg5[%add3A_944, %dma_start3A_950] : memref<200x128xi32, #tpu.memory_space<vmem>> -> memref<1x128xi32, #tpu.memory_space<vmem>>
      %dma_start3A_952 = tpu.memref_squeeze %dma_start3A_951 : memref<1x128xi32, #tpu.memory_space<vmem>> -> memref<128xi32, #tpu.memory_space<vmem>>
      %dma_start3A_953 = arith.constant 0 : i32
      %dma_start3A_954 = arith.constant 0 : i32
      %dma_start3A_955 = tpu.memref_slice %arg3[%dma_start3A_953, %dma_start3A_954] : memref<1000000x64xf32, #tpu.memory_space<hbm>> -> memref<1000000x64xf32, #tpu.memory_space<hbm>>
      tpu.enqueue_indirect_dma source(%dma_start3A_955 : memref<1000000x64xf32, #tpu.memory_space<hbm>>) target(%dma_start3A_949 : memref<128x64xf32, #tpu.memory_space<vmem>>) offsets(%dma_start3A_952 : memref<128xi32, #tpu.memory_space<vmem>>) semaphore(%arg10 : memref<!tpu.dma_semaphore, #tpu.memory_space<semaphore_mem>>)
      %mul3A_956 = arith.constant 2 : i32
      %mul3A_957 = arith.muli %add3A_881, %mul3A_956 : i32
      %add3A_958 = arith.constant 0 : i32
      %add3A_959 = arith.addi %mul3A_957, %add3A_958 : i32
      %dma_wait3A_960 = arith.constant 2 : i32
      %dma_wait3A_961 = arith.constant 0 : i32
      %dma_wait3A_962 = arith.constant 0 : i32
      %dma_wait3A_963 = tpu.memref_slice %arg6[%dma_wait3A_960, %dma_wait3A_961, %dma_wait3A_962] : memref<8x128x64xf32, #tpu.memory_space<vmem>> -> memref<1x128x64xf32, #tpu.memory_space<vmem>>
      %dma_wait3A_964 = tpu.memref_squeeze %dma_wait3A_963 : memref<1x128x64xf32, #tpu.memory_space<vmem>> -> memref<128x64xf32, #tpu.memory_space<vmem>>
      %dma_wait3A_965 = arith.constant 0 : i32
      %dma_wait3A_966 = tpu.memref_slice %arg5[%add3A_959, %dma_wait3A_965] : memref<200x128xi32, #tpu.memory_space<vmem>> -> memref<1x128xi32, #tpu.memory_space<vmem>>
      %dma_wait3A_967 = tpu.memref_squeeze %dma_wait3A_966 : memref<1x128xi32, #tpu.memory_space<vmem>> -> memref<128xi32, #tpu.memory_space<vmem>>
      %dma_wait3A_968 = arith.constant 0 : i32
      %dma_wait3A_969 = arith.constant 0 : i32
      %dma_wait3A_970 = tpu.memref_slice %arg3[%dma_wait3A_968, %dma_wait3A_969] : memref<1000000x64xf32, #tpu.memory_space<hbm>> -> memref<1000000x64xf32, #tpu.memory_space<hbm>>
      tpu.wait_indirect_dma semaphore(%arg8 : memref<!tpu.dma_semaphore, #tpu.memory_space<semaphore_mem>>) src(%dma_wait3A_970 : memref<1000000x64xf32, #tpu.memory_space<hbm>>) dst(%dma_wait3A_964 : memref<128x64xf32, #tpu.memory_space<vmem>>)
      %mul3A_971 = arith.constant 2 : i32
      %mul3A_972 = arith.muli %add3A_881, %mul3A_971 : i32
      %add3A_973 = arith.constant 1 : i32
      %add3A_974 = arith.addi %mul3A_972, %add3A_973 : i32
      %dma_wait3A_975 = arith.constant 3 : i32
      %dma_wait3A_976 = arith.constant 0 : i32
      %dma_wait3A_977 = arith.constant 0 : i32
      %dma_wait3A_978 = tpu.memref_slice %arg6[%dma_wait3A_975, %dma_wait3A_976, %dma_wait3A_977] : memref<8x128x64xf32, #tpu.memory_space<vmem>> -> memref<1x128x64xf32, #tpu.memory_space<vmem>>
      %dma_wait3A_979 = tpu.memref_squeeze %dma_wait3A_978 : memref<1x128x64xf32, #tpu.memory_space<vmem>> -> memref<128x64xf32, #tpu.memory_space<vmem>>
      %dma_wait3A_980 = arith.constant 0 : i32
      %dma_wait3A_981 = tpu.memref_slice %arg5[%add3A_974, %dma_wait3A_980] : memref<200x128xi32, #tpu.memory_space<vmem>> -> memref<1x128xi32, #tpu.memory_space<vmem>>
      %dma_wait3A_982 = tpu.memref_squeeze %dma_wait3A_981 : memref<1x128xi32, #tpu.memory_space<vmem>> -> memref<128xi32, #tpu.memory_space<vmem>>
      %dma_wait3A_983 = arith.constant 0 : i32
      %dma_wait3A_984 = arith.constant 0 : i32
      %dma_wait3A_985 = tpu.memref_slice %arg3[%dma_wait3A_983, %dma_wait3A_984] : memref<1000000x64xf32, #tpu.memory_space<hbm>> -> memref<1000000x64xf32, #tpu.memory_space<hbm>>
      tpu.wait_indirect_dma semaphore(%arg8 : memref<!tpu.dma_semaphore, #tpu.memory_space<semaphore_mem>>) src(%dma_wait3A_985 : memref<1000000x64xf32, #tpu.memory_space<hbm>>) dst(%dma_wait3A_979 : memref<128x64xf32, #tpu.memory_space<vmem>>)
      %mul3A_986 = arith.constant 2 : i32
      %mul3A_987 = arith.muli %add3A_881, %mul3A_986 : i32
      %add3A_988 = arith.constant 0 : i32
      %add3A_989 = arith.addi %mul3A_987, %add3A_988 : i32
      %mul3A_990 = arith.constant 128 : i32
      %mul3A_991 = arith.muli %add3A_989, %mul3A_990 : i32
      %add3A_992 = arith.addi %mul3A_2, %mul3A_991 : i32
      %dma_start3A_993 = arith.constant 2 : i32
      %dma_start3A_994 = arith.constant 0 : i32
      %dma_start3A_995 = arith.constant 0 : i32
      %dma_start3A_996 = tpu.memref_slice %arg6[%dma_start3A_993, %dma_start3A_994, %dma_start3A_995] : memref<8x128x64xf32, #tpu.memory_space<vmem>> -> memref<1x128x64xf32, #tpu.memory_space<vmem>>
      %dma_start3A_997 = tpu.memref_squeeze %dma_start3A_996 : memref<1x128x64xf32, #tpu.memory_space<vmem>> -> memref<128x64xf32, #tpu.memory_space<vmem>>
      %dma_start3A_998 = arith.constant 0 : i32
      %dma_start3A_999 = tpu.memref_slice %arg4[%add3A_992, %dma_start3A_998] : memref<819200x128xf32, #tpu.memory_space<hbm>> -> memref<128x64xf32, #tpu.memory_space<hbm>>
      %dma_start3A_1000 = arith.constant 0 : i32
      %dma_start3A_1001 = tpu.memref_slice %arg4[%add3A_992, %dma_start3A_1000] : memref<819200x128xf32, #tpu.memory_space<hbm>> -> memref<128x64xf32, #tpu.memory_space<hbm>>
      %dma_start3A_1002 = arith.constant 0 : i32
      %dma_start3A_1003 = arith.constant 0 : i32
      %dma_start3A_1004 = tpu.memref_slice %arg6[%dma_start3A_993, %dma_start3A_1002, %dma_start3A_1003] : memref<8x128x64xf32, #tpu.memory_space<vmem>> -> memref<1x128x64xf32, #tpu.memory_space<vmem>>
      %dma_start3A_1005 = tpu.memref_squeeze %dma_start3A_1004 : memref<1x128x64xf32, #tpu.memory_space<vmem>> -> memref<128x64xf32, #tpu.memory_space<vmem>>
      tpu.enqueue_dma source(%dma_start3A_1005 : memref<128x64xf32, #tpu.memory_space<vmem>>) target(%dma_start3A_1001 : memref<128x64xf32, #tpu.memory_space<hbm>>) target_semaphore(%arg12 : memref<!tpu.dma_semaphore, #tpu.memory_space<semaphore_mem>>)
      %mul3A_1006 = arith.constant 2 : i32
      %mul3A_1007 = arith.muli %add3A_881, %mul3A_1006 : i32
      %add3A_1008 = arith.constant 1 : i32
      %add3A_1009 = arith.addi %mul3A_1007, %add3A_1008 : i32
      %mul3A_1010 = arith.constant 128 : i32
      %mul3A_1011 = arith.muli %add3A_1009, %mul3A_1010 : i32
      %add3A_1012 = arith.addi %mul3A_2, %mul3A_1011 : i32
      %dma_start3A_1013 = arith.constant 3 : i32
      %dma_start3A_1014 = arith.constant 0 : i32
      %dma_start3A_1015 = arith.constant 0 : i32
      %dma_start3A_1016 = tpu.memref_slice %arg6[%dma_start3A_1013, %dma_start3A_1014, %dma_start3A_1015] : memref<8x128x64xf32, #tpu.memory_space<vmem>> -> memref<1x128x64xf32, #tpu.memory_space<vmem>>
      %dma_start3A_1017 = tpu.memref_squeeze %dma_start3A_1016 : memref<1x128x64xf32, #tpu.memory_space<vmem>> -> memref<128x64xf32, #tpu.memory_space<vmem>>
      %dma_start3A_1018 = arith.constant 0 : i32
      %dma_start3A_1019 = tpu.memref_slice %arg4[%add3A_1012, %dma_start3A_1018] : memref<819200x128xf32, #tpu.memory_space<hbm>> -> memref<128x64xf32, #tpu.memory_space<hbm>>
      %dma_start3A_1020 = arith.constant 0 : i32
      %dma_start3A_1021 = tpu.memref_slice %arg4[%add3A_1012, %dma_start3A_1020] : memref<819200x128xf32, #tpu.memory_space<hbm>> -> memref<128x64xf32, #tpu.memory_space<hbm>>
      %dma_start3A_1022 = arith.constant 0 : i32
      %dma_start3A_1023 = arith.constant 0 : i32
      %dma_start3A_1024 = tpu.memref_slice %arg6[%dma_start3A_1013, %dma_start3A_1022, %dma_start3A_1023] : memref<8x128x64xf32, #tpu.memory_space<vmem>> -> memref<1x128x64xf32, #tpu.memory_space<vmem>>
      %dma_start3A_1025 = tpu.memref_squeeze %dma_start3A_1024 : memref<1x128x64xf32, #tpu.memory_space<vmem>> -> memref<128x64xf32, #tpu.memory_space<vmem>>
      tpu.enqueue_dma source(%dma_start3A_1025 : memref<128x64xf32, #tpu.memory_space<vmem>>) target(%dma_start3A_1021 : memref<128x64xf32, #tpu.memory_space<hbm>>) target_semaphore(%arg12 : memref<!tpu.dma_semaphore, #tpu.memory_space<semaphore_mem>>)
    }
    %scan3A_209 = arith.constant 24 : i32
    %add3A_210 = arith.constant 24576 : i32
    %add3A_211 = arith.addi %mul3A_2, %add3A_210 : i32
    %dma_wait3A_212 = arith.constant 0 : i32
    %dma_wait3A_213 = arith.constant 0 : i32
    %dma_wait3A_214 = arith.constant 0 : i32
    %dma_wait3A_215 = tpu.memref_slice %arg6[%dma_wait3A_212, %dma_wait3A_213, %dma_wait3A_214] : memref<8x128x64xf32, #tpu.memory_space<vmem>> -> memref<1x128x64xf32, #tpu.memory_space<vmem>>
    %dma_wait3A_216 = tpu.memref_squeeze %dma_wait3A_215 : memref<1x128x64xf32, #tpu.memory_space<vmem>> -> memref<128x64xf32, #tpu.memory_space<vmem>>
    %dma_wait3A_217 = arith.constant 0 : i32
    %dma_wait3A_218 = tpu.memref_slice %arg4[%add3A_211, %dma_wait3A_217] : memref<819200x128xf32, #tpu.memory_space<hbm>> -> memref<128x64xf32, #tpu.memory_space<hbm>>
    %dma_wait3A_219 = arith.constant 0 : i32
    %dma_wait3A_220 = tpu.memref_slice %arg4[%add3A_211, %dma_wait3A_219] : memref<819200x128xf32, #tpu.memory_space<hbm>> -> memref<128x64xf32, #tpu.memory_space<hbm>>
    %dma_wait3A_221 = arith.constant 0 : i32
    %dma_wait3A_222 = arith.constant 0 : i32
    %dma_wait3A_223 = tpu.memref_slice %arg6[%dma_wait3A_212, %dma_wait3A_221, %dma_wait3A_222] : memref<8x128x64xf32, #tpu.memory_space<vmem>> -> memref<1x128x64xf32, #tpu.memory_space<vmem>>
    %dma_wait3A_224 = tpu.memref_squeeze %dma_wait3A_223 : memref<1x128x64xf32, #tpu.memory_space<vmem>> -> memref<128x64xf32, #tpu.memory_space<vmem>>
    tpu.wait_dma2 semaphore(%arg11 : memref<!tpu.dma_semaphore, #tpu.memory_space<semaphore_mem>>) src(%dma_wait3A_224 : memref<128x64xf32, #tpu.memory_space<vmem>>) dst(%dma_wait3A_220 : memref<128x64xf32, #tpu.memory_space<hbm>>)
    %add3A_225 = arith.constant 24704 : i32
    %add3A_226 = arith.addi %mul3A_2, %add3A_225 : i32
    %dma_wait3A_227 = arith.constant 1 : i32
    %dma_wait3A_228 = arith.constant 0 : i32
    %dma_wait3A_229 = arith.constant 0 : i32
    %dma_wait3A_230 = tpu.memref_slice %arg6[%dma_wait3A_227, %dma_wait3A_228, %dma_wait3A_229] : memref<8x128x64xf32, #tpu.memory_space<vmem>> -> memref<1x128x64xf32, #tpu.memory_space<vmem>>
    %dma_wait3A_231 = tpu.memref_squeeze %dma_wait3A_230 : memref<1x128x64xf32, #tpu.memory_space<vmem>> -> memref<128x64xf32, #tpu.memory_space<vmem>>
    %dma_wait3A_232 = arith.constant 0 : i32
    %dma_wait3A_233 = tpu.memref_slice %arg4[%add3A_226, %dma_wait3A_232] : memref<819200x128xf32, #tpu.memory_space<hbm>> -> memref<128x64xf32, #tpu.memory_space<hbm>>
    %dma_wait3A_234 = arith.constant 0 : i32
    %dma_wait3A_235 = tpu.memref_slice %arg4[%add3A_226, %dma_wait3A_234] : memref<819200x128xf32, #tpu.memory_space<hbm>> -> memref<128x64xf32, #tpu.memory_space<hbm>>
    %dma_wait3A_236 = arith.constant 0 : i32
    %dma_wait3A_237 = arith.constant 0 : i32
    %dma_wait3A_238 = tpu.memref_slice %arg6[%dma_wait3A_227, %dma_wait3A_236, %dma_wait3A_237] : memref<8x128x64xf32, #tpu.memory_space<vmem>> -> memref<1x128x64xf32, #tpu.memory_space<vmem>>
    %dma_wait3A_239 = tpu.memref_squeeze %dma_wait3A_238 : memref<1x128x64xf32, #tpu.memory_space<vmem>> -> memref<128x64xf32, #tpu.memory_space<vmem>>
    tpu.wait_dma2 semaphore(%arg11 : memref<!tpu.dma_semaphore, #tpu.memory_space<semaphore_mem>>) src(%dma_wait3A_239 : memref<128x64xf32, #tpu.memory_space<vmem>>) dst(%dma_wait3A_235 : memref<128x64xf32, #tpu.memory_space<hbm>>)
    %dma_wait3A_240 = arith.constant 196 : i32
    %dma_wait3A_241 = arith.constant 4 : i32
    %dma_wait3A_242 = arith.constant 0 : i32
    %dma_wait3A_243 = arith.constant 0 : i32
    %dma_wait3A_244 = tpu.memref_slice %arg6[%dma_wait3A_241, %dma_wait3A_242, %dma_wait3A_243] : memref<8x128x64xf32, #tpu.memory_space<vmem>> -> memref<1x128x64xf32, #tpu.memory_space<vmem>>
    %dma_wait3A_245 = tpu.memref_squeeze %dma_wait3A_244 : memref<1x128x64xf32, #tpu.memory_space<vmem>> -> memref<128x64xf32, #tpu.memory_space<vmem>>
    %dma_wait3A_246 = arith.constant 0 : i32
    %dma_wait3A_247 = tpu.memref_slice %arg5[%dma_wait3A_240, %dma_wait3A_246] : memref<200x128xi32, #tpu.memory_space<vmem>> -> memref<1x128xi32, #tpu.memory_space<vmem>>
    %dma_wait3A_248 = tpu.memref_squeeze %dma_wait3A_247 : memref<1x128xi32, #tpu.memory_space<vmem>> -> memref<128xi32, #tpu.memory_space<vmem>>
    %dma_wait3A_249 = arith.constant 0 : i32
    %dma_wait3A_250 = arith.constant 0 : i32
    %dma_wait3A_251 = tpu.memref_slice %arg3[%dma_wait3A_249, %dma_wait3A_250] : memref<1000000x64xf32, #tpu.memory_space<hbm>> -> memref<1000000x64xf32, #tpu.memory_space<hbm>>
    tpu.wait_indirect_dma semaphore(%arg9 : memref<!tpu.dma_semaphore, #tpu.memory_space<semaphore_mem>>) src(%dma_wait3A_251 : memref<1000000x64xf32, #tpu.memory_space<hbm>>) dst(%dma_wait3A_245 : memref<128x64xf32, #tpu.memory_space<vmem>>)
    %dma_wait3A_252 = arith.constant 197 : i32
    %dma_wait3A_253 = arith.constant 5 : i32
    %dma_wait3A_254 = arith.constant 0 : i32
    %dma_wait3A_255 = arith.constant 0 : i32
    %dma_wait3A_256 = tpu.memref_slice %arg6[%dma_wait3A_253, %dma_wait3A_254, %dma_wait3A_255] : memref<8x128x64xf32, #tpu.memory_space<vmem>> -> memref<1x128x64xf32, #tpu.memory_space<vmem>>
    %dma_wait3A_257 = tpu.memref_squeeze %dma_wait3A_256 : memref<1x128x64xf32, #tpu.memory_space<vmem>> -> memref<128x64xf32, #tpu.memory_space<vmem>>
    %dma_wait3A_258 = arith.constant 0 : i32
    %dma_wait3A_259 = tpu.memref_slice %arg5[%dma_wait3A_252, %dma_wait3A_258] : memref<200x128xi32, #tpu.memory_space<vmem>> -> memref<1x128xi32, #tpu.memory_space<vmem>>
    %dma_wait3A_260 = tpu.memref_squeeze %dma_wait3A_259 : memref<1x128xi32, #tpu.memory_space<vmem>> -> memref<128xi32, #tpu.memory_space<vmem>>
    %dma_wait3A_261 = arith.constant 0 : i32
    %dma_wait3A_262 = arith.constant 0 : i32
    %dma_wait3A_263 = tpu.memref_slice %arg3[%dma_wait3A_261, %dma_wait3A_262] : memref<1000000x64xf32, #tpu.memory_space<hbm>> -> memref<1000000x64xf32, #tpu.memory_space<hbm>>
    tpu.wait_indirect_dma semaphore(%arg9 : memref<!tpu.dma_semaphore, #tpu.memory_space<semaphore_mem>>) src(%dma_wait3A_263 : memref<1000000x64xf32, #tpu.memory_space<hbm>>) dst(%dma_wait3A_257 : memref<128x64xf32, #tpu.memory_space<vmem>>)
    %add3A_264 = arith.constant 25088 : i32
    %add3A_265 = arith.addi %mul3A_2, %add3A_264 : i32
    %dma_start3A_266 = arith.constant 4 : i32
    %dma_start3A_267 = arith.constant 0 : i32
    %dma_start3A_268 = arith.constant 0 : i32
    %dma_start3A_269 = tpu.memref_slice %arg6[%dma_start3A_266, %dma_start3A_267, %dma_start3A_268] : memref<8x128x64xf32, #tpu.memory_space<vmem>> -> memref<1x128x64xf32, #tpu.memory_space<vmem>>
    %dma_start3A_270 = tpu.memref_squeeze %dma_start3A_269 : memref<1x128x64xf32, #tpu.memory_space<vmem>> -> memref<128x64xf32, #tpu.memory_space<vmem>>
    %dma_start3A_271 = arith.constant 0 : i32
    %dma_start3A_272 = tpu.memref_slice %arg4[%add3A_265, %dma_start3A_271] : memref<819200x128xf32, #tpu.memory_space<hbm>> -> memref<128x64xf32, #tpu.memory_space<hbm>>
    %dma_start3A_273 = arith.constant 0 : i32
    %dma_start3A_274 = tpu.memref_slice %arg4[%add3A_265, %dma_start3A_273] : memref<819200x128xf32, #tpu.memory_space<hbm>> -> memref<128x64xf32, #tpu.memory_space<hbm>>
    %dma_start3A_275 = arith.constant 0 : i32
    %dma_start3A_276 = arith.constant 0 : i32
    %dma_start3A_277 = tpu.memref_slice %arg6[%dma_start3A_266, %dma_start3A_275, %dma_start3A_276] : memref<8x128x64xf32, #tpu.memory_space<vmem>> -> memref<1x128x64xf32, #tpu.memory_space<vmem>>
    %dma_start3A_278 = tpu.memref_squeeze %dma_start3A_277 : memref<1x128x64xf32, #tpu.memory_space<vmem>> -> memref<128x64xf32, #tpu.memory_space<vmem>>
    tpu.enqueue_dma source(%dma_start3A_278 : memref<128x64xf32, #tpu.memory_space<vmem>>) target(%dma_start3A_274 : memref<128x64xf32, #tpu.memory_space<hbm>>) target_semaphore(%arg13 : memref<!tpu.dma_semaphore, #tpu.memory_space<semaphore_mem>>)
    %add3A_279 = arith.constant 25216 : i32
    %add3A_280 = arith.addi %mul3A_2, %add3A_279 : i32
    %dma_start3A_281 = arith.constant 5 : i32
    %dma_start3A_282 = arith.constant 0 : i32
    %dma_start3A_283 = arith.constant 0 : i32
    %dma_start3A_284 = tpu.memref_slice %arg6[%dma_start3A_281, %dma_start3A_282, %dma_start3A_283] : memref<8x128x64xf32, #tpu.memory_space<vmem>> -> memref<1x128x64xf32, #tpu.memory_space<vmem>>
    %dma_start3A_285 = tpu.memref_squeeze %dma_start3A_284 : memref<1x128x64xf32, #tpu.memory_space<vmem>> -> memref<128x64xf32, #tpu.memory_space<vmem>>
    %dma_start3A_286 = arith.constant 0 : i32
    %dma_start3A_287 = tpu.memref_slice %arg4[%add3A_280, %dma_start3A_286] : memref<819200x128xf32, #tpu.memory_space<hbm>> -> memref<128x64xf32, #tpu.memory_space<hbm>>
    %dma_start3A_288 = arith.constant 0 : i32
    %dma_start3A_289 = tpu.memref_slice %arg4[%add3A_280, %dma_start3A_288] : memref<819200x128xf32, #tpu.memory_space<hbm>> -> memref<128x64xf32, #tpu.memory_space<hbm>>
    %dma_start3A_290 = arith.constant 0 : i32
    %dma_start3A_291 = arith.constant 0 : i32
    %dma_start3A_292 = tpu.memref_slice %arg6[%dma_start3A_281, %dma_start3A_290, %dma_start3A_291] : memref<8x128x64xf32, #tpu.memory_space<vmem>> -> memref<1x128x64xf32, #tpu.memory_space<vmem>>
    %dma_start3A_293 = tpu.memref_squeeze %dma_start3A_292 : memref<1x128x64xf32, #tpu.memory_space<vmem>> -> memref<128x64xf32, #tpu.memory_space<vmem>>
    tpu.enqueue_dma source(%dma_start3A_293 : memref<128x64xf32, #tpu.memory_space<vmem>>) target(%dma_start3A_289 : memref<128x64xf32, #tpu.memory_space<hbm>>) target_semaphore(%arg13 : memref<!tpu.dma_semaphore, #tpu.memory_space<semaphore_mem>>)
    %add3A_294 = arith.constant 24832 : i32
    %add3A_295 = arith.addi %mul3A_2, %add3A_294 : i32
    %dma_wait3A_296 = arith.constant 2 : i32
    %dma_wait3A_297 = arith.constant 0 : i32
    %dma_wait3A_298 = arith.constant 0 : i32
    %dma_wait3A_299 = tpu.memref_slice %arg6[%dma_wait3A_296, %dma_wait3A_297, %dma_wait3A_298] : memref<8x128x64xf32, #tpu.memory_space<vmem>> -> memref<1x128x64xf32, #tpu.memory_space<vmem>>
    %dma_wait3A_300 = tpu.memref_squeeze %dma_wait3A_299 : memref<1x128x64xf32, #tpu.memory_space<vmem>> -> memref<128x64xf32, #tpu.memory_space<vmem>>
    %dma_wait3A_301 = arith.constant 0 : i32
    %dma_wait3A_302 = tpu.memref_slice %arg4[%add3A_295, %dma_wait3A_301] : memref<819200x128xf32, #tpu.memory_space<hbm>> -> memref<128x64xf32, #tpu.memory_space<hbm>>
    %dma_wait3A_303 = arith.constant 0 : i32
    %dma_wait3A_304 = tpu.memref_slice %arg4[%add3A_295, %dma_wait3A_303] : memref<819200x128xf32, #tpu.memory_space<hbm>> -> memref<128x64xf32, #tpu.memory_space<hbm>>
    %dma_wait3A_305 = arith.constant 0 : i32
    %dma_wait3A_306 = arith.constant 0 : i32
    %dma_wait3A_307 = tpu.memref_slice %arg6[%dma_wait3A_296, %dma_wait3A_305, %dma_wait3A_306] : memref<8x128x64xf32, #tpu.memory_space<vmem>> -> memref<1x128x64xf32, #tpu.memory_space<vmem>>
    %dma_wait3A_308 = tpu.memref_squeeze %dma_wait3A_307 : memref<1x128x64xf32, #tpu.memory_space<vmem>> -> memref<128x64xf32, #tpu.memory_space<vmem>>
    tpu.wait_dma2 semaphore(%arg12 : memref<!tpu.dma_semaphore, #tpu.memory_space<semaphore_mem>>) src(%dma_wait3A_308 : memref<128x64xf32, #tpu.memory_space<vmem>>) dst(%dma_wait3A_304 : memref<128x64xf32, #tpu.memory_space<hbm>>)
    %add3A_309 = arith.constant 24960 : i32
    %add3A_310 = arith.addi %mul3A_2, %add3A_309 : i32
    %dma_wait3A_311 = arith.constant 3 : i32
    %dma_wait3A_312 = arith.constant 0 : i32
    %dma_wait3A_313 = arith.constant 0 : i32
    %dma_wait3A_314 = tpu.memref_slice %arg6[%dma_wait3A_311, %dma_wait3A_312, %dma_wait3A_313] : memref<8x128x64xf32, #tpu.memory_space<vmem>> -> memref<1x128x64xf32, #tpu.memory_space<vmem>>
    %dma_wait3A_315 = tpu.memref_squeeze %dma_wait3A_314 : memref<1x128x64xf32, #tpu.memory_space<vmem>> -> memref<128x64xf32, #tpu.memory_space<vmem>>
    %dma_wait3A_316 = arith.constant 0 : i32
    %dma_wait3A_317 = tpu.memref_slice %arg4[%add3A_310, %dma_wait3A_316] : memref<819200x128xf32, #tpu.memory_space<hbm>> -> memref<128x64xf32, #tpu.memory_space<hbm>>
    %dma_wait3A_318 = arith.constant 0 : i32
    %dma_wait3A_319 = tpu.memref_slice %arg4[%add3A_310, %dma_wait3A_318] : memref<819200x128xf32, #tpu.memory_space<hbm>> -> memref<128x64xf32, #tpu.memory_space<hbm>>
    %dma_wait3A_320 = arith.constant 0 : i32
    %dma_wait3A_321 = arith.constant 0 : i32
    %dma_wait3A_322 = tpu.memref_slice %arg6[%dma_wait3A_311, %dma_wait3A_320, %dma_wait3A_321] : memref<8x128x64xf32, #tpu.memory_space<vmem>> -> memref<1x128x64xf32, #tpu.memory_space<vmem>>
    %dma_wait3A_323 = tpu.memref_squeeze %dma_wait3A_322 : memref<1x128x64xf32, #tpu.memory_space<vmem>> -> memref<128x64xf32, #tpu.memory_space<vmem>>
    tpu.wait_dma2 semaphore(%arg12 : memref<!tpu.dma_semaphore, #tpu.memory_space<semaphore_mem>>) src(%dma_wait3A_323 : memref<128x64xf32, #tpu.memory_space<vmem>>) dst(%dma_wait3A_319 : memref<128x64xf32, #tpu.memory_space<hbm>>)
    %dma_wait3A_324 = arith.constant 198 : i32
    %dma_wait3A_325 = arith.constant 6 : i32
    %dma_wait3A_326 = arith.constant 0 : i32
    %dma_wait3A_327 = arith.constant 0 : i32
    %dma_wait3A_328 = tpu.memref_slice %arg6[%dma_wait3A_325, %dma_wait3A_326, %dma_wait3A_327] : memref<8x128x64xf32, #tpu.memory_space<vmem>> -> memref<1x128x64xf32, #tpu.memory_space<vmem>>
    %dma_wait3A_329 = tpu.memref_squeeze %dma_wait3A_328 : memref<1x128x64xf32, #tpu.memory_space<vmem>> -> memref<128x64xf32, #tpu.memory_space<vmem>>
    %dma_wait3A_330 = arith.constant 0 : i32
    %dma_wait3A_331 = tpu.memref_slice %arg5[%dma_wait3A_324, %dma_wait3A_330] : memref<200x128xi32, #tpu.memory_space<vmem>> -> memref<1x128xi32, #tpu.memory_space<vmem>>
    %dma_wait3A_332 = tpu.memref_squeeze %dma_wait3A_331 : memref<1x128xi32, #tpu.memory_space<vmem>> -> memref<128xi32, #tpu.memory_space<vmem>>
    %dma_wait3A_333 = arith.constant 0 : i32
    %dma_wait3A_334 = arith.constant 0 : i32
    %dma_wait3A_335 = tpu.memref_slice %arg3[%dma_wait3A_333, %dma_wait3A_334] : memref<1000000x64xf32, #tpu.memory_space<hbm>> -> memref<1000000x64xf32, #tpu.memory_space<hbm>>
    tpu.wait_indirect_dma semaphore(%arg10 : memref<!tpu.dma_semaphore, #tpu.memory_space<semaphore_mem>>) src(%dma_wait3A_335 : memref<1000000x64xf32, #tpu.memory_space<hbm>>) dst(%dma_wait3A_329 : memref<128x64xf32, #tpu.memory_space<vmem>>)
    %dma_wait3A_336 = arith.constant 199 : i32
    %dma_wait3A_337 = arith.constant 7 : i32
    %dma_wait3A_338 = arith.constant 0 : i32
    %dma_wait3A_339 = arith.constant 0 : i32
    %dma_wait3A_340 = tpu.memref_slice %arg6[%dma_wait3A_337, %dma_wait3A_338, %dma_wait3A_339] : memref<8x128x64xf32, #tpu.memory_space<vmem>> -> memref<1x128x64xf32, #tpu.memory_space<vmem>>
    %dma_wait3A_341 = tpu.memref_squeeze %dma_wait3A_340 : memref<1x128x64xf32, #tpu.memory_space<vmem>> -> memref<128x64xf32, #tpu.memory_space<vmem>>
    %dma_wait3A_342 = arith.constant 0 : i32
    %dma_wait3A_343 = tpu.memref_slice %arg5[%dma_wait3A_336, %dma_wait3A_342] : memref<200x128xi32, #tpu.memory_space<vmem>> -> memref<1x128xi32, #tpu.memory_space<vmem>>
    %dma_wait3A_344 = tpu.memref_squeeze %dma_wait3A_343 : memref<1x128xi32, #tpu.memory_space<vmem>> -> memref<128xi32, #tpu.memory_space<vmem>>
    %dma_wait3A_345 = arith.constant 0 : i32
    %dma_wait3A_346 = arith.constant 0 : i32
    %dma_wait3A_347 = tpu.memref_slice %arg3[%dma_wait3A_345, %dma_wait3A_346] : memref<1000000x64xf32, #tpu.memory_space<hbm>> -> memref<1000000x64xf32, #tpu.memory_space<hbm>>
    tpu.wait_indirect_dma semaphore(%arg10 : memref<!tpu.dma_semaphore, #tpu.memory_space<semaphore_mem>>) src(%dma_wait3A_347 : memref<1000000x64xf32, #tpu.memory_space<hbm>>) dst(%dma_wait3A_341 : memref<128x64xf32, #tpu.memory_space<vmem>>)
    %add3A_348 = arith.constant 25344 : i32
    %add3A_349 = arith.addi %mul3A_2, %add3A_348 : i32
    %dma_start3A_350 = arith.constant 6 : i32
    %dma_start3A_351 = arith.constant 0 : i32
    %dma_start3A_352 = arith.constant 0 : i32
    %dma_start3A_353 = tpu.memref_slice %arg6[%dma_start3A_350, %dma_start3A_351, %dma_start3A_352] : memref<8x128x64xf32, #tpu.memory_space<vmem>> -> memref<1x128x64xf32, #tpu.memory_space<vmem>>
    %dma_start3A_354 = tpu.memref_squeeze %dma_start3A_353 : memref<1x128x64xf32, #tpu.memory_space<vmem>> -> memref<128x64xf32, #tpu.memory_space<vmem>>
    %dma_start3A_355 = arith.constant 0 : i32
    %dma_start3A_356 = tpu.memref_slice %arg4[%add3A_349, %dma_start3A_355] : memref<819200x128xf32, #tpu.memory_space<hbm>> -> memref<128x64xf32, #tpu.memory_space<hbm>>
    %dma_start3A_357 = arith.constant 0 : i32
    %dma_start3A_358 = tpu.memref_slice %arg4[%add3A_349, %dma_start3A_357] : memref<819200x128xf32, #tpu.memory_space<hbm>> -> memref<128x64xf32, #tpu.memory_space<hbm>>
    %dma_start3A_359 = arith.constant 0 : i32
    %dma_start3A_360 = arith.constant 0 : i32
    %dma_start3A_361 = tpu.memref_slice %arg6[%dma_start3A_350, %dma_start3A_359, %dma_start3A_360] : memref<8x128x64xf32, #tpu.memory_space<vmem>> -> memref<1x128x64xf32, #tpu.memory_space<vmem>>
    %dma_start3A_362 = tpu.memref_squeeze %dma_start3A_361 : memref<1x128x64xf32, #tpu.memory_space<vmem>> -> memref<128x64xf32, #tpu.memory_space<vmem>>
    tpu.enqueue_dma source(%dma_start3A_362 : memref<128x64xf32, #tpu.memory_space<vmem>>) target(%dma_start3A_358 : memref<128x64xf32, #tpu.memory_space<hbm>>) target_semaphore(%arg14 : memref<!tpu.dma_semaphore, #tpu.memory_space<semaphore_mem>>)
    %add3A_363 = arith.constant 25472 : i32
    %add3A_364 = arith.addi %mul3A_2, %add3A_363 : i32
    %dma_start3A_365 = arith.constant 7 : i32
    %dma_start3A_366 = arith.constant 0 : i32
    %dma_start3A_367 = arith.constant 0 : i32
    %dma_start3A_368 = tpu.memref_slice %arg6[%dma_start3A_365, %dma_start3A_366, %dma_start3A_367] : memref<8x128x64xf32, #tpu.memory_space<vmem>> -> memref<1x128x64xf32, #tpu.memory_space<vmem>>
    %dma_start3A_369 = tpu.memref_squeeze %dma_start3A_368 : memref<1x128x64xf32, #tpu.memory_space<vmem>> -> memref<128x64xf32, #tpu.memory_space<vmem>>
    %dma_start3A_370 = arith.constant 0 : i32
    %dma_start3A_371 = tpu.memref_slice %arg4[%add3A_364, %dma_start3A_370] : memref<819200x128xf32, #tpu.memory_space<hbm>> -> memref<128x64xf32, #tpu.memory_space<hbm>>
    %dma_start3A_372 = arith.constant 0 : i32
    %dma_start3A_373 = tpu.memref_slice %arg4[%add3A_364, %dma_start3A_372] : memref<819200x128xf32, #tpu.memory_space<hbm>> -> memref<128x64xf32, #tpu.memory_space<hbm>>
    %dma_start3A_374 = arith.constant 0 : i32
    %dma_start3A_375 = arith.constant 0 : i32
    %dma_start3A_376 = tpu.memref_slice %arg6[%dma_start3A_365, %dma_start3A_374, %dma_start3A_375] : memref<8x128x64xf32, #tpu.memory_space<vmem>> -> memref<1x128x64xf32, #tpu.memory_space<vmem>>
    %dma_start3A_377 = tpu.memref_squeeze %dma_start3A_376 : memref<1x128x64xf32, #tpu.memory_space<vmem>> -> memref<128x64xf32, #tpu.memory_space<vmem>>
    tpu.enqueue_dma source(%dma_start3A_377 : memref<128x64xf32, #tpu.memory_space<vmem>>) target(%dma_start3A_373 : memref<128x64xf32, #tpu.memory_space<hbm>>) target_semaphore(%arg14 : memref<!tpu.dma_semaphore, #tpu.memory_space<semaphore_mem>>)
    %add3A_378 = arith.constant 25088 : i32
    %add3A_379 = arith.addi %mul3A_2, %add3A_378 : i32
    %dma_wait3A_380 = arith.constant 4 : i32
    %dma_wait3A_381 = arith.constant 0 : i32
    %dma_wait3A_382 = arith.constant 0 : i32
    %dma_wait3A_383 = tpu.memref_slice %arg6[%dma_wait3A_380, %dma_wait3A_381, %dma_wait3A_382] : memref<8x128x64xf32, #tpu.memory_space<vmem>> -> memref<1x128x64xf32, #tpu.memory_space<vmem>>
    %dma_wait3A_384 = tpu.memref_squeeze %dma_wait3A_383 : memref<1x128x64xf32, #tpu.memory_space<vmem>> -> memref<128x64xf32, #tpu.memory_space<vmem>>
    %dma_wait3A_385 = arith.constant 0 : i32
    %dma_wait3A_386 = tpu.memref_slice %arg4[%add3A_379, %dma_wait3A_385] : memref<819200x128xf32, #tpu.memory_space<hbm>> -> memref<128x64xf32, #tpu.memory_space<hbm>>
    %dma_wait3A_387 = arith.constant 0 : i32
    %dma_wait3A_388 = tpu.memref_slice %arg4[%add3A_379, %dma_wait3A_387] : memref<819200x128xf32, #tpu.memory_space<hbm>> -> memref<128x64xf32, #tpu.memory_space<hbm>>
    %dma_wait3A_389 = arith.constant 0 : i32
    %dma_wait3A_390 = arith.constant 0 : i32
    %dma_wait3A_391 = tpu.memref_slice %arg6[%dma_wait3A_380, %dma_wait3A_389, %dma_wait3A_390] : memref<8x128x64xf32, #tpu.memory_space<vmem>> -> memref<1x128x64xf32, #tpu.memory_space<vmem>>
    %dma_wait3A_392 = tpu.memref_squeeze %dma_wait3A_391 : memref<1x128x64xf32, #tpu.memory_space<vmem>> -> memref<128x64xf32, #tpu.memory_space<vmem>>
    tpu.wait_dma2 semaphore(%arg13 : memref<!tpu.dma_semaphore, #tpu.memory_space<semaphore_mem>>) src(%dma_wait3A_392 : memref<128x64xf32, #tpu.memory_space<vmem>>) dst(%dma_wait3A_388 : memref<128x64xf32, #tpu.memory_space<hbm>>)
    %add3A_393 = arith.constant 25216 : i32
    %add3A_394 = arith.addi %mul3A_2, %add3A_393 : i32
    %dma_wait3A_395 = arith.constant 5 : i32
    %dma_wait3A_396 = arith.constant 0 : i32
    %dma_wait3A_397 = arith.constant 0 : i32
    %dma_wait3A_398 = tpu.memref_slice %arg6[%dma_wait3A_395, %dma_wait3A_396, %dma_wait3A_397] : memref<8x128x64xf32, #tpu.memory_space<vmem>> -> memref<1x128x64xf32, #tpu.memory_space<vmem>>
    %dma_wait3A_399 = tpu.memref_squeeze %dma_wait3A_398 : memref<1x128x64xf32, #tpu.memory_space<vmem>> -> memref<128x64xf32, #tpu.memory_space<vmem>>
    %dma_wait3A_400 = arith.constant 0 : i32
    %dma_wait3A_401 = tpu.memref_slice %arg4[%add3A_394, %dma_wait3A_400] : memref<819200x128xf32, #tpu.memory_space<hbm>> -> memref<128x64xf32, #tpu.memory_space<hbm>>
    %dma_wait3A_402 = arith.constant 0 : i32
    %dma_wait3A_403 = tpu.memref_slice %arg4[%add3A_394, %dma_wait3A_402] : memref<819200x128xf32, #tpu.memory_space<hbm>> -> memref<128x64xf32, #tpu.memory_space<hbm>>
    %dma_wait3A_404 = arith.constant 0 : i32
    %dma_wait3A_405 = arith.constant 0 : i32
    %dma_wait3A_406 = tpu.memref_slice %arg6[%dma_wait3A_395, %dma_wait3A_404, %dma_wait3A_405] : memref<8x128x64xf32, #tpu.memory_space<vmem>> -> memref<1x128x64xf32, #tpu.memory_space<vmem>>
    %dma_wait3A_407 = tpu.memref_squeeze %dma_wait3A_406 : memref<1x128x64xf32, #tpu.memory_space<vmem>> -> memref<128x64xf32, #tpu.memory_space<vmem>>
    tpu.wait_dma2 semaphore(%arg13 : memref<!tpu.dma_semaphore, #tpu.memory_space<semaphore_mem>>) src(%dma_wait3A_407 : memref<128x64xf32, #tpu.memory_space<vmem>>) dst(%dma_wait3A_403 : memref<128x64xf32, #tpu.memory_space<hbm>>)
    %add3A_408 = arith.constant 25344 : i32
    %add3A_409 = arith.addi %mul3A_2, %add3A_408 : i32
    %dma_wait3A_410 = arith.constant 6 : i32
    %dma_wait3A_411 = arith.constant 0 : i32
    %dma_wait3A_412 = arith.constant 0 : i32
    %dma_wait3A_413 = tpu.memref_slice %arg6[%dma_wait3A_410, %dma_wait3A_411, %dma_wait3A_412] : memref<8x128x64xf32, #tpu.memory_space<vmem>> -> memref<1x128x64xf32, #tpu.memory_space<vmem>>
    %dma_wait3A_414 = tpu.memref_squeeze %dma_wait3A_413 : memref<1x128x64xf32, #tpu.memory_space<vmem>> -> memref<128x64xf32, #tpu.memory_space<vmem>>
    %dma_wait3A_415 = arith.constant 0 : i32
    %dma_wait3A_416 = tpu.memref_slice %arg4[%add3A_409, %dma_wait3A_415] : memref<819200x128xf32, #tpu.memory_space<hbm>> -> memref<128x64xf32, #tpu.memory_space<hbm>>
    %dma_wait3A_417 = arith.constant 0 : i32
    %dma_wait3A_418 = tpu.memref_slice %arg4[%add3A_409, %dma_wait3A_417] : memref<819200x128xf32, #tpu.memory_space<hbm>> -> memref<128x64xf32, #tpu.memory_space<hbm>>
    %dma_wait3A_419 = arith.constant 0 : i32
    %dma_wait3A_420 = arith.constant 0 : i32
    %dma_wait3A_421 = tpu.memref_slice %arg6[%dma_wait3A_410, %dma_wait3A_419, %dma_wait3A_420] : memref<8x128x64xf32, #tpu.memory_space<vmem>> -> memref<1x128x64xf32, #tpu.memory_space<vmem>>
    %dma_wait3A_422 = tpu.memref_squeeze %dma_wait3A_421 : memref<1x128x64xf32, #tpu.memory_space<vmem>> -> memref<128x64xf32, #tpu.memory_space<vmem>>
    tpu.wait_dma2 semaphore(%arg14 : memref<!tpu.dma_semaphore, #tpu.memory_space<semaphore_mem>>) src(%dma_wait3A_422 : memref<128x64xf32, #tpu.memory_space<vmem>>) dst(%dma_wait3A_418 : memref<128x64xf32, #tpu.memory_space<hbm>>)
    %add3A_423 = arith.constant 25472 : i32
    %add3A_424 = arith.addi %mul3A_2, %add3A_423 : i32
    %dma_wait3A_425 = arith.constant 7 : i32
    %dma_wait3A_426 = arith.constant 0 : i32
    %dma_wait3A_427 = arith.constant 0 : i32
    %dma_wait3A_428 = tpu.memref_slice %arg6[%dma_wait3A_425, %dma_wait3A_426, %dma_wait3A_427] : memref<8x128x64xf32, #tpu.memory_space<vmem>> -> memref<1x128x64xf32, #tpu.memory_space<vmem>>
    %dma_wait3A_429 = tpu.memref_squeeze %dma_wait3A_428 : memref<1x128x64xf32, #tpu.memory_space<vmem>> -> memref<128x64xf32, #tpu.memory_space<vmem>>
    %dma_wait3A_430 = arith.constant 0 : i32
    %dma_wait3A_431 = tpu.memref_slice %arg4[%add3A_424, %dma_wait3A_430] : memref<819200x128xf32, #tpu.memory_space<hbm>> -> memref<128x64xf32, #tpu.memory_space<hbm>>
    %dma_wait3A_432 = arith.constant 0 : i32
    %dma_wait3A_433 = tpu.memref_slice %arg4[%add3A_424, %dma_wait3A_432] : memref<819200x128xf32, #tpu.memory_space<hbm>> -> memref<128x64xf32, #tpu.memory_space<hbm>>
    %dma_wait3A_434 = arith.constant 0 : i32
    %dma_wait3A_435 = arith.constant 0 : i32
    %dma_wait3A_436 = tpu.memref_slice %arg6[%dma_wait3A_425, %dma_wait3A_434, %dma_wait3A_435] : memref<8x128x64xf32, #tpu.memory_space<vmem>> -> memref<1x128x64xf32, #tpu.memory_space<vmem>>
    %dma_wait3A_437 = tpu.memref_squeeze %dma_wait3A_436 : memref<1x128x64xf32, #tpu.memory_space<vmem>> -> memref<128x64xf32, #tpu.memory_space<vmem>>
    tpu.wait_dma2 semaphore(%arg14 : memref<!tpu.dma_semaphore, #tpu.memory_space<semaphore_mem>>) src(%dma_wait3A_437 : memref<128x64xf32, #tpu.memory_space<vmem>>) dst(%dma_wait3A_433 : memref<128x64xf32, #tpu.memory_space<hbm>>)
    return
  }
}

</mosaic_0001>

<sc_bundles>
// kernel: kernel.3.cloned.1.call-start
scs
__scs_entry_jumppad:
0x0: {  	(pc) =	sbr.rel $0x88, $3  }
0x1: {  	(tag) =	ssettag $0x0;
	lr =	simm.s32 $0x1  }
0x2: {  	[smem:$0x3F9F] =	sst lr;
	_ =	strace $0xD0000000  }
0x3: {  	_ = 	snop  }
0x4: {  	_ = 	snop  }
0x5: {  	_ = 	snop  }
0x6: {  	_ = 	snop  }
0x7: {  	_ = 	snop  }
__scs_overlays_trampoline_lowered:
0x8: {  	[smem:$0x3FAE] =	sst s0  }
0x9: {  	[smem:$0x3FAF] =	sst s1  }
0xa: {  	[smem:$0x3FB0] =	sst s2  }
0xb: {  	[smem:$0x3FB1] =	sst s3  }
0xc: {  	[smem:$0x3FB2] =	sst s4  }
0xd: {  	[smem:$0x3FB3] =	sst s5  }
0xe: {  	[smem:$0x3FB4] =	sst s6  }
0xf: {  	[smem:$0x3FB5] =	sst s7  }
0x10: {  	[smem:$0x3FB6] =	sst s8  }
0x11: {  	[smem:$0x3FB7] =	sst s9;
	s0 =	simm.s32 @!p0 $0x0  }
0x12: {  	s1 =	sld [smem:$0x3F9D];
	s0 =	simm.s32 @p0 $0x1  }
0x13: {  	[smem:$0x3FB8] =	sst s0;
	s0 =	simm.s32 @!p1 $0x0  }
0x14: {  	s2 =	sld [smem:$0x3F9C];
	s0 =	simm.s32 @p1 $0x1  }
0x15: {  	[smem:$0x3FB9] =	sst s0;
	s0 =	simm.s32 @!p2 $0x0  }
0x16: {  	s3 =	sld [smem:$0x3FDB];
	s0 =	simm.s32 @p2 $0x1  }
0x17: {  	s4 =	simm.s32 $0x1BF5;
	[smem:$0x3FBB] =	sst s0  }
0x18: {  	s0 =	sld [smem:$0x3F9E];
	_ =	swait.ge [sflag:s4], $0x0  }
0x19: {  	s7 =	sld [smem:$0x3F9F]  }
0x1a: {  	s8 =	sadd.s32 $0xFFFFE003, lr  }
0x1b: {  	s9 =	sadd.s32 $0xFFFFFEF7, lr;
	s5 =	simm.s32 $0xFFFFFFFF;
	p2 =	slt.u32 s8, $0xFFFFF086  }
0x1c: {  	p1 =	slt.u32 s9, $0xF7A;
	s5 =	simm.s32 @!p2 $0x0  }
0x1d: {  	s5 =	simm.s32 @p1 $0x1;
	p0 =	seq.s32 s7, s2  }
0x1e: {  	s7 =	smul.u32 @!p0 $0xF7A, s2;
	p2 =	seq.s32 @!p0 s5, $0x0  }
0x1f: {  	s9 =	smul.u32 $0xF7A, s1;
	s8 =	simm.s32 @!p0 $0x1BF5;
	p2 =	por !p2, p0  }
0x20: {  	[sflag:s8] =	ssyncset.s32 @!p0 $0xFFFFF086;
	s6 =	sadd.s32 @!p0 s3, s7;
	s7 =	simm.s32 @!p0 $0x108  }
0x21: {  	s3 =	sadd.s32 s3, s9;
	s6 =	sadd.s32 @!p0 $0x88, s6;
	s7 =	simm.s32 @p2 $0x1082  }
0x22: {  	[simem:s7], [sflag:s8] =	dma.local @!p0 [hbm:s6], $0xF7A  }
0x23: {  	s9 =	sor.u32 $0xD0000000, s2;
	s6 =	simm.s32 $0x108;
	_ =	swait.ge @!p0 [sflag:s8], $0x0  }
0x24: {  	s3 =	sadd.s32 $0x88, s3;
	s6 =	simm.s32 @!p1 $0x1082;
	[sflag:s4] =	ssyncset.s32 $0xFFFFF086  }
0x25: {  	[simem:s6], [sflag:s4] =	dma.local [hbm:s3], $0xF7A  }
0x26: {  	[smem:$0x3F9F] =	sst s1;
	(tag) =	ssettag s2;
	_ =	strace s9  }
0x27: {  	s1 =	sld [smem:$0x3FAF]  }
0x28: {  	s2 =	sld [smem:$0x3FB0]  }
0x29: {  	s4 =	sld [smem:$0x3FB2]  }
0x2a: {  	p0 =	seq.s32 s5, $0x0;
	s5 =	sld [smem:$0x3FB3]  }
0x2b: {  	s6 =	sld [smem:$0x3FB4]  }
0x2c: {  	s7 =	sld [smem:$0x3FB5]  }
0x2d: {  	s3 =	simm.s32 $0x108;
	s8 =	sld [smem:$0x3FB6]  }
0x2e: {  	s3 =	simm.s32 @!p0 $0x1082;
	s9 =	sld [smem:$0x3FB7]  }
0x2f: {  	lr =	sadd.s32 s0, s3;
	s0 =	sld [smem:$0x3FAE]  }
0x30: {  	s3 =	sld [smem:$0x3FB1]  }
0x31: {  	[smem:$0x3FBA] =	sst s10  }
0x32: {  	s10 =	sld [smem:$0x3FB8];
	_ =	sdelay $0x3  }
0x33: {  	p0 =	seq.s32 s10, $0x1;
	s10 =	sld [smem:$0x3FBA];
	_ =	sdelay $0x3  }
0x34: {  	[smem:$0x3FBA] =	sst s10  }
0x35: {  	s10 =	sld [smem:$0x3FB9];
	_ =	sdelay $0x3  }
0x36: {  	p1 =	seq.s32 s10, $0x1;
	s10 =	sld [smem:$0x3FBA];
	_ =	sdelay $0x3  }
0x37: {  	[smem:$0x3FBA] =	sst s10  }
0x38: {  	s10 =	sld [smem:$0x3FBB]  }
0x39: {  	_ = 	snop;
	(pc) =	sbr.ind lr, $3  }
0x3a: {  	_ = 	snop  }
0x3b: {  	_ = 	snop  }
0x3c: {  	p2 =	seq.s32 s10, $0x1;
	s10 =	sld [smem:$0x3FBA]  }
0x3d: {  	_ =	shalt  }
0x3e: {  	_ =	shalt  }
0x3f: {  	_ =	shalt  }
0x40: {  	_ =	shalt  }
0x41: {  	_ =	shalt  }
0x42: {  	_ =	shalt  }
0x43: {  	_ =	shalt  }
0x44: {  	_ =	shalt  }
0x45: {  	_ =	shalt  }
0x46: {  	_ =	shalt  }
0x47: {  	_ =	shalt  }
0x48: {  	_ =	shalt  }
0x49: {  	_ =	shalt  }
0x4a: {  	_ =	shalt  }
0x4b: {  	_ =	shalt  }
0x4c: {  	_ =	shalt  }
0x4d: {  	_ =	shalt  }
0x4e: {  	_ =	shalt  }
0x4f: {  	_ =	shalt  }
0x50: {  	_ =	shalt  }
0x51: {  	_ =	shalt  }
0x52: {  	_ =	shalt  }
0x53: {  	_ =	shalt  }
0x54: {  	_ =	shalt  }
0x55: {  	_ =	shalt  }
0x56: {  	_ =	shalt  }
0x57: {  	_ =	shalt  }
0x58: {  	_ =	shalt  }
0x59: {  	_ =	shalt  }
0x5a: {  	_ =	shalt  }
0x5b: {  	_ =	shalt  }
0x5c: {  	_ =	shalt  }
0x5d: {  	_ =	shalt  }
0x5e: {  	_ =	shalt  }
0x5f: {  	_ =	shalt  }
0x60: {  	_ =	shalt  }
0x61: {  	_ =	shalt  }
0x62: {  	_ =	shalt  }
0x63: {  	_ =	shalt  }
0x64: {  	_ =	shalt  }
0x65: {  	_ =	shalt  }
0x66: {  	_ =	shalt  }
0x67: {  	_ =	shalt  }
0x68: {  	_ =	shalt  }
0x69: {  	_ =	shalt  }
0x6a: {  	_ =	shalt  }
0x6b: {  	_ =	shalt  }
0x6c: {  	_ =	shalt  }
0x6d: {  	_ =	shalt  }
0x6e: {  	_ =	shalt  }
0x6f: {  	_ =	shalt  }
0x70: {  	_ =	shalt  }
0x71: {  	_ =	shalt  }
0x72: {  	_ =	shalt  }
0x73: {  	_ =	shalt  }
0x74: {  	_ =	shalt  }
0x75: {  	_ =	shalt  }
0x76: {  	_ =	shalt  }
0x77: {  	_ =	shalt  }
0x78: {  	_ =	shalt  }
0x79: {  	_ =	shalt  }
0x7a: {  	_ =	shalt  }
0x7b: {  	_ =	shalt  }
0x7c: {  	_ =	shalt  }
0x7d: {  	_ =	shalt  }
0x7e: {  	_ =	shalt  }
0x7f: {  	_ =	shalt  }
0x80: {  	_ =	shalt  }
0x81: {  	_ =	shalt  }
0x82: {  	_ =	shalt  }
0x83: {  	_ =	shalt  }
0x84: {  	_ =	shalt  }
0x85: {  	_ =	shalt  }
0x86: {  	_ =	shalt  }
0x87: {  	_ =	shalt  }
.Lfunc_end0:
.L_simem_size_0:
called_computation.1_lowered:
.L_overlay_start_0:
0x88: {  	s2 =	sld [smem:$0x3FD9]  }
0x89: {  	s3 =	sld [smem:$0x3FFE];
	_ =	sdelay $0x1  }
0x8a: {  	s1 =	srdreg.scid  }
0x8b: {  	s0 =	sand.u32 $0x1, s1  }
0x8c: {  	s17 =	sshll.u32 s0, $0xA;
	s2 =	sadd.s32 s3, s2  }
0x8d: {  	s2 =	sadd.s32 s2, s17  }
0x8e: {  	[smem:$0x3FC6] =	sst s2  }
0x8f: {  	_ = 	snop  }
0x90: {  	s2 =	sld [smem:$0x3FD0];
	(tm) =	ssettm $0x1  }
0x91: {  	s18 =	sld [smem:$0x3FFB];
	_ =	sdelay $0x3  }
0x92: {  	_ =	strace s18  }
0x93: {  	s3 =	sld [smem:$0x3FFC];
	_ =	sdelay $0x3  }
0x94: {  	_ =	strace s3  }
0x95: {  	s3 =	sld [smem:$0x3FFD];
	_ =	sdelay $0x3  }
0x96: {  	_ =	strace s3  }
0x97: {  	_ =	strace $0x8FFFFFFF  }
0x98: {  	s19 =	sld [smem:$0x3FDB];
	_ =	sdelay $0x1  }
0x99: {  	s4 =	simm.s32 $_scs_section_size  }
0x9a: {  	s5 =	simm.s32 $_size__tile_overlayer_lowered;
	s6 =	simm.s32 $_tile_overlayer_lowered  }
0x9b: {  	s22 =	simm.s32 $0x1BFF;
	s21 =	sshll.u32 s6, $0x1;
	s3 =	sadd.s32 s4, s19  }
0x9c: {  	s7 =	simm.s32 $0x0;
	s20 =	sshll.u32 s5, $0x1;
	s5 =	sadd.s32 s21, s3  }
0x9d: {  	[timem:s7], [sflag:s22] =	dma.local [hbm:s5], s20  }
0x9e: {  	_ =	swait.ge [sflag:s22], s20  }
0x9f: {  	s4 =	ssub.s32 $0x0, s20;
	[sflag:s22] =	ssyncset.done $0x0  }
0xa0: {  	[sflag:s22] =	ssyncadd.s32 s4;
	_ =	sdelay $0x1  }
0xa1: {  	s23 =	simm.s32 $0x1B8B  }
0xa2: {  	_ =	swait.ge [sflag:s23], $0x1  }
0xa3: {  	[sflag:s23] =	ssyncset.done $0x0  }
0xa4: {  	s25 =	simm.s32 $0x1B8E;
	s24 =	sld [smem:$0x3FFE];
	[sflag:s23] =	ssyncadd.s32 $0xFFFFFFFF  }
0xa5: {  	s26 =	simm.s32 $execute0_lowered;
	[smem:$0x3FD2] =	sst s25  }
0xa6: {  	s5 =	sshll.u32 s26, $0x1;
	_ =	strace $0x80000046;
	[dreg:$0x1] =	wrdreg $0xFFFFFFFF  }
0xa7: {  	s28 =	simm.s32 $_size_execute0_lowered;
	s3 =	sadd.s32 s3, s5;
	[dreg:$0x0] =	wrdreg $0x0  }
0xa8: {  	s5 =	sshll.u32 s28, $0x1;
	[dreg:$0x2] =	wrdreg s3  }
0xa9: {  	[dreg:$0x3] =	wrdreg s5  }
0xaa: {  	[dreg:$0x4] =	wrdreg $0xC0  }
0xab: {  	_ =	task [dreg:s7], $0x5FFFF  }
0xac: {  	[dreg:$0x1] =	wrdreg $0xFFFFFFFF  }
0xad: {  	[dreg:$0x0] =	wrdreg $0x60  }
0xae: {  	[dreg:$0x2] =	wrdreg s2  }
0xaf: {  	[dreg:$0x3] =	wrdreg s24  }
0xb0: {  	[dreg:$0x4] =	wrdreg $0x9  }
0xb1: {  	_ =	task.clear_ibuf [dreg:s7], $0x5FFFF;
	_ =	strace $0x90000046  }
0xb2: {  	s29 =	simm.s32 $0x9;
	_ =	strace $0x80000048  }
0xb3: {  	_ =	swait.ge [sflag:s29], $0x1  }
0xb4: {  	[sflag:s29] =	ssyncadd.s32 $0xFFFFFFFF  }
0xb5: {  	_ =	strace $0x90000048  }
0xb6: {  	_ =	sfence  }
0xb7: {  	s30 =	sld [smem:$0x0];
	_ =	sdelay $0x2  }
0xb8: {  	s31 =	sshll.u32 s1, $0xD;
	s1 =	sshrl.u32 s1, $0x2  }
0xb9: {  	s3 =	sand.u32 $0x4000, s31;
	s1 =	sadd.s32 s1, s30  }
0xba: {  	s0 =	sor.u32 s3, s0;
	s1 =	sshll.u32 s1, $0x11  }
0xbb: {  	s0 =	sor.u32 s1, s0  }
0xbc: {  	s0 =	sadd.s32 $0x8F2B, s0  }
0xbd: {  	[sflag:s0] =	ssyncadd.remote.s32 $0x1  }
0xbe: {  	_ =	sfence.sel $0xFFFF  }
0xbf: {  	[dreg:$0x0] =	wrdreg $0xFFFFFFFF;
	(pc) =	sbr.abs _section_cstart, $3  }
0xc0: {  	[dreg:$0x1] =	wrdreg $0xFFFFFFFF  }
0xc1: {  	_ =	task.clear_ibuf [dreg:s7], $0x2FFFF;
	_ =	strace $0x9FFFFFFF  }
0xc2: {  	(tm) =	ssettm $0x7FFFFFFF  }
0xc3: {  	_ =	shalt  }
tec
execute0_lowered:
.L_overlay_start_1:
0x0: {  	(tag) =	ssettag $0x1  }
0x1: {  	s0 =	rddreg [dreg:$0x0];
	s10 =	stileid.u32  }
0x2: {  	s1 =	rddreg [dreg:$0x1];
	s12 =	smul.u32 $0xC8000, s10  }
0x3: {  	s3 =	simm.s32 $0x0;
	s2 =	srdreg.scid;
	s15 =	smul.u32 $0x640000, s10  }
0x4: {  	s2 =	sand.u32 $0x1, s2;
	s7 =	sshll.u32 s10, $0x1;
	s10 =	smul.u32 $0xC800, s10  }
0x5: {  	s28 =	simm.s32 $0x10400;
	s29 =	simm.s32 $0x1;
	s14 =	smul.u32 $0x64000, s2  }
0x6: {  	s30 =	simm.s32 $0x40;
	s31 =	simm.s32 $0x6;
	s17 =	smul.u32 $0x320000, s2  }
0x7: {  	s4 =	sor.u32 s2, s7;
	s5 =	ssub.s32 $0x2, s2;
	s2 =	smul.u32 $0x6400, s2  }
0x8: {  	[smem:$0x7FF] =	sst s3;
	s3 =	sadd.s32 $0xF42E00, s1;
	s6 =	smul.u32 $0x6400, s4  }
0x9: {  	s9 =	sadd.s32 $0xA00, s1;
	s8 =	sshrl.u32 s5, $0x1;
	s7 =	smul.u32 $0x64000, s4  }
0xa: {  	_ =	strace $0x80000047;
	s4 =	smul.u32 $0x320000, s4;
	s1 =	ssub.s32 s5, s8  }
0xb: {  	s19 =	sadd.s32 s17, s15;
	s2 =	sadd.s32 s2, s10;
	s17 =	simm.s32 $0x80  }
0xc: {  	s5 =	simm.s32 $0x8;
	s11 =	sshrl.u32 s6, $0x3;
	s6 =	sadd.s32 s9, s7  }
0xd: {  	s4 =	sshrl.u32 s4, $0x3;
	s20 =	sor.u32 $0x18000, s19;
	s1 =	smax.u32 s1, $0x1  }
0xe: {  	s21 =	sor.u32 $0x10000, s19;
	s0 =	sadd.s32 s0, s11;
	[dreg:$0x11] =	wrdreg s1  }
0xf: {  	s2 =	sshll.u32 s2, $0x4;
	s13 =	sadd.s32 $0x800, s6;
	[dreg:$0x9] =	wrdreg s0  }
0x10: {  	s24 =	sadd.s32 $0x28000, s19;
	s7 =	sadd.s32 $0x1000, s6;
	[dreg:$0xa] =	wrdreg s13  }
0x11: {  	s10 =	sadd.s32 $0x20000, s19;
	s8 =	sadd.s32 $0x1800, s6;
	[dreg:$0xb] =	wrdreg s7  }
0x12: {  	s19 =	simm.s32 $0x8400;
	s22 =	sshrl.u32 s21, $0x3;
	[dreg:$0xc] =	wrdreg s8  }
0x13: {  	s4 =	sadd.s32 s9, s4;
	s23 =	sadd.s32 $0x4800, s2;
	[dreg:$0x5] =	wrdreg s22  }
0x14: {  	s25 =	sshrl.u32 s24, $0x3;
	s26 =	sadd.s32 $0x5800, s2;
	[dreg:$0x6] =	wrdreg s23  }
0x15: {  	s21 =	simm.s32 $0xA400;
	s24 =	simm.s32 $0x5;
	[dreg:$0x7] =	wrdreg s25  }
0x16: {  	s1 =	simm.s32 $0x4;
	s16 =	sadd.s32 $0x62000, s4;
	[dreg:$0x8] =	wrdreg s26  }
0x17: {  	s2 =	simm.s32 $0x7;
	s11 =	sadd.s32 $0x62800, s4;
	[dreg:$0xd] =	wrdreg s16  }
0x18: {  	s18 =	sadd.s32 $0x63000, s4;
	s0 =	sadd.s32 s14, s12;
	[dreg:$0xe] =	wrdreg s11  }
0x19: {  	s4 =	sadd.s32 $0x63800, s4;
	s23 =	simm.s32 $0xC400;
	[dreg:$0xf] =	wrdreg s18  }
0x1a: {  	s25 =	simm.s32 $0xE400;
	s22 =	simm.s32 $0x2;
	[dreg:$0x10] =	wrdreg s4  }
0x1b: {  	s26 =	simm.s32 $0x3;
	s7 =	simm.s32 $0x0;
	[dreg:$0x3] =	wrdreg s0  }
0x1c: {  	s0 =	sshrl.u32 s20, $0x3;
	s16 =	simm.s32 $0x9;
	s18 =	simm.s32 $0x6400  }
0x1d: {  	s20 =	simm.s32 $0x14400;
	[dreg:$0x4] =	wrdreg s0;
	s0 =	simm.s32 $0x12400  }
.LBB2_1:
0x1e: {  	s4 =	simm.s32 $0x0;
	s8 =	rddreg [dreg:$0x9]  }
0x1f: {  	[tilespmem:s4], [sflag:$0x9] =	stream.linear.gather [hbm4b:s8+s4], $0x6400, $0x38;
	[tilespmem:$0x16400] =	vst v63  }
0x20: {  	_ =	swait.ge [sflag:s16], $0x6400  }
0x21: {  	[sflag:s16] =	ssyncset.done $0x0  }
0x22: {  	[sflag:s16] =	ssyncadd.s32 $0xFFFF9C00  }
0x23: {  	[tilespmem:s18], [sflag:$0x1] =	stream.indirect.gather [hbm4b:s3+s17], $0x40, s4, s17, $0xb8;
	[tilespmem:$0x16400] =	vst v63  }
0x24: {  	_ = 	snop  }
0x25: {  	[tilespmem:s19], [sflag:$0x1] =	stream.indirect.gather [hbm4b:s3+s17], $0x40, s17, s17, $0xb8;
	[tilespmem:$0x16400] =	vst v63  }
0x26: {  	s14 =	simm.s32 $0x100  }
0x27: {  	[tilespmem:s21], [sflag:$0x2] =	stream.indirect.gather [hbm4b:s3+s17], $0x40, s14, s17, $0xb8;
	[tilespmem:$0x16400] =	vst v63  }
0x28: {  	s15 =	simm.s32 $0x180  }
0x29: {  	[tilespmem:s23], [sflag:$0x2] =	stream.indirect.gather [hbm4b:s3+s17], $0x40, s15, s17, $0xb8;
	[tilespmem:$0x16400] =	vst v63  }
0x2a: {  	s8 =	simm.s32 $0x200  }
0x2b: {  	[tilespmem:s25], [sflag:$0x3] =	stream.indirect.gather [hbm4b:s3+s17], $0x40, s8, s17, $0xb8;
	[tilespmem:$0x16400] =	vst v63  }
0x2c: {  	s11 =	simm.s32 $0x280  }
0x2d: {  	[tilespmem:s28], [sflag:$0x3] =	stream.indirect.gather [hbm4b:s3+s17], $0x40, s11, s17, $0xb8;
	[tilespmem:$0x16400] =	vst v63  }
0x2e: {  	_ =	swait.ge [sflag:s29], $0x2000  }
0x2f: {  	[sflag:s29] =	ssyncset.done $0x0  }
0x30: {  	[sflag:s29] =	ssyncadd.s32 $0xFFFFE000  }
0x31: {  	_ =	swait.ge [sflag:s29], $0x2000  }
0x32: {  	[sflag:s29] =	ssyncset.done $0x0  }
0x33: {  	[sflag:s29] =	ssyncadd.s32 $0xFFFFE000  }
0x34: {  	[hbm4b:s6+s30] =	stream.strided.scatter [tilespmem:s18], [sflag:$0x5], $0x2000, s17, s30, $0x38;
	[tilespmem:$0x16400] =	vst v63  }
0x35: {  	s12 =	rddreg [dreg:$0xa]  }
0x36: {  	[hbm4b:s12+s30] =	stream.strided.scatter [tilespmem:s19], [sflag:$0x5], $0x2000, s17, s30, $0x38;
	[tilespmem:$0x16400] =	vst v63  }
0x37: {  	s13 =	simm.s32 $0x300  }
0x38: {  	[tilespmem:s0], [sflag:$0x4] =	stream.indirect.gather [hbm4b:s3+s17], $0x40, s13, s17, $0xb8;
	[tilespmem:$0x16400] =	vst v63  }
0x39: {  	s14 =	simm.s32 $0x380  }
0x3a: {  	[tilespmem:s20], [sflag:$0x4] =	stream.indirect.gather [hbm4b:s3+s17], $0x40, s14, s17, $0xb8;
	[tilespmem:$0x16400] =	vst v63  }
0x3b: {  	_ =	swait.ge [sflag:s22], $0x2000  }
0x3c: {  	[sflag:s22] =	ssyncset.done $0x0  }
0x3d: {  	[sflag:s22] =	ssyncadd.s32 $0xFFFFE000  }
0x3e: {  	_ =	swait.ge [sflag:s22], $0x2000  }
0x3f: {  	[sflag:s22] =	ssyncset.done $0x0  }
0x40: {  	s15 =	rddreg [dreg:$0xb];
	[sflag:s22] =	ssyncadd.s32 $0xFFFFE000  }
0x41: {  	[hbm4b:s15+s30] =	stream.strided.scatter [tilespmem:s21], [sflag:$0x6], $0x2000, s17, s30, $0x38;
	[tilespmem:$0x16400] =	vst v63  }
0x42: {  	s8 =	rddreg [dreg:$0xc]  }
0x43: {  	[hbm4b:s8+s30] =	stream.strided.scatter [tilespmem:s23], [sflag:$0x6], $0x2000, s17, s30, $0x38;
	[tilespmem:$0x16400] =	vst v63  }
0x44: {  	_ =	swait.ge [sflag:s24], $0x2000  }
0x45: {  	[sflag:s24] =	ssyncset.done $0x0  }
0x46: {  	[sflag:s24] =	ssyncadd.s32 $0xFFFFE000  }
0x47: {  	_ =	swait.ge [sflag:s24], $0x2000  }
0x48: {  	[sflag:s24] =	ssyncset.done $0x0  }
0x49: {  	s11 =	simm.s32 $0x400;
	[sflag:s24] =	ssyncadd.s32 $0xFFFFE000  }
0x4a: {  	[tilespmem:s18], [sflag:$0x1] =	stream.indirect.gather [hbm4b:s3+s17], $0x40, s11, s17, $0xb8;
	[tilespmem:$0x16400] =	vst v63  }
0x4b: {  	s12 =	simm.s32 $0x480  }
0x4c: {  	[tilespmem:s19], [sflag:$0x1] =	stream.indirect.gather [hbm4b:s3+s17], $0x40, s12, s17, $0xb8;
	[tilespmem:$0x16400] =	vst v63  }
0x4d: {  	_ =	swait.ge [sflag:s26], $0x2000  }
0x4e: {  	[sflag:s26] =	ssyncset.done $0x0  }
0x4f: {  	[sflag:s26] =	ssyncadd.s32 $0xFFFFE000  }
0x50: {  	_ =	swait.ge [sflag:s26], $0x2000  }
0x51: {  	s13 =	rddreg [dreg:$0x5]  }
0x52: {  	s14 =	rddreg [dreg:$0x3];
	[sflag:s26] =	ssyncset.done $0x0  }
0x53: {  	[sflag:s26] =	ssyncadd.s32 $0xFFFFE000;
	s4 =	sadd.s32 s9, s13;
	s15 =	sadd.s32 s9, s14  }
0x54: {  	[hbm4b:s4+s30] =	stream.strided.scatter [tilespmem:s25], [sflag:$0x7], $0x2000, s17, s30, $0x38;
	[tilespmem:$0x16400] =	vst v63  }
0x55: {  	s8 =	sadd.s32 $0x2800, s15  }
0x56: {  	[hbm4b:s8+s30] =	stream.strided.scatter [tilespmem:s28], [sflag:$0x7], $0x2000, s17, s30, $0x38;
	[tilespmem:$0x16400] =	vst v63  }
0x57: {  	_ =	swait.ge [sflag:s31], $0x2000  }
0x58: {  	[sflag:s31] =	ssyncset.done $0x0  }
0x59: {  	[sflag:s31] =	ssyncadd.s32 $0xFFFFE000  }
0x5a: {  	_ =	swait.ge [sflag:s31], $0x2000  }
0x5b: {  	[sflag:s31] =	ssyncset.done $0x0  }
0x5c: {  	s11 =	simm.s32 $0x500;
	[sflag:s31] =	ssyncadd.s32 $0xFFFFE000  }
0x5d: {  	[tilespmem:s21], [sflag:$0x2] =	stream.indirect.gather [hbm4b:s3+s17], $0x40, s11, s17, $0xb8;
	[tilespmem:$0x16400] =	vst v63  }
0x5e: {  	s12 =	simm.s32 $0x580  }
0x5f: {  	[tilespmem:s23], [sflag:$0x2] =	stream.indirect.gather [hbm4b:s3+s17], $0x40, s12, s17, $0xb8;
	[tilespmem:$0x16400] =	vst v63  }
0x60: {  	_ =	swait.ge [sflag:s1], $0x2000  }
0x61: {  	[sflag:s1] =	ssyncset.done $0x0  }
0x62: {  	[sflag:s1] =	ssyncadd.s32 $0xFFFFE000  }
0x63: {  	_ =	swait.ge [sflag:s1], $0x2000  }
0x64: {  	s13 =	rddreg [dreg:$0x4];
	[sflag:s1] =	ssyncset.done $0x0  }
0x65: {  	[sflag:s1] =	ssyncadd.s32 $0xFFFFE000;
	s8 =	sadd.s32 s9, s13  }
0x66: {  	[hbm4b:s8+s30] =	stream.strided.scatter [tilespmem:s0], [sflag:$0x8], $0x2000, s17, s30, $0x38;
	[tilespmem:$0x16400] =	vst v63  }
0x67: {  	s4 =	sadd.s32 $0x3800, s15  }
0x68: {  	[hbm4b:s4+s30] =	stream.strided.scatter [tilespmem:s20], [sflag:$0x8], $0x2000, s17, s30, $0x38;
	[tilespmem:$0x16400] =	vst v63  }
0x69: {  	_ =	swait.ge [sflag:s2], $0x2000  }
0x6a: {  	[sflag:s2] =	ssyncset.done $0x0  }
0x6b: {  	[sflag:s2] =	ssyncadd.s32 $0xFFFFE000  }
0x6c: {  	_ =	swait.ge [sflag:s2], $0x2000  }
0x6d: {  	[sflag:s2] =	ssyncset.done $0x0  }
0x6e: {  	s14 =	simm.s32 $0x600;
	[sflag:s2] =	ssyncadd.s32 $0xFFFFE000  }
0x6f: {  	[tilespmem:s25], [sflag:$0x3] =	stream.indirect.gather [hbm4b:s3+s17], $0x40, s14, s17, $0xb8;
	[tilespmem:$0x16400] =	vst v63  }
0x70: {  	s15 =	simm.s32 $0x680  }
0x71: {  	[tilespmem:s28], [sflag:$0x3] =	stream.indirect.gather [hbm4b:s3+s17], $0x40, s15, s17, $0xb8;
	[tilespmem:$0x16400] =	vst v63  }
0x72: {  	_ =	swait.ge [sflag:s29], $0x2000  }
0x73: {  	[sflag:s29] =	ssyncset.done $0x0  }
0x74: {  	[sflag:s29] =	ssyncadd.s32 $0xFFFFE000  }
0x75: {  	_ =	swait.ge [sflag:s29], $0x2000  }
0x76: {  	s8 =	sshrl.u32 s10, $0x3;
	[sflag:s29] =	ssyncset.done $0x0  }
0x77: {  	s4 =	sadd.s32 s9, s8;
	s11 =	rddreg [dreg:$0x6];
	[sflag:s29] =	ssyncadd.s32 $0xFFFFE000  }
0x78: {  	[hbm4b:s4+s30] =	stream.strided.scatter [tilespmem:s18], [sflag:$0x5], $0x2000, s17, s30, $0x38;
	[tilespmem:$0x16400] =	vst v63  }
0x79: {  	s12 =	sadd.s32 s9, s11  }
0x7a: {  	[hbm4b:s12+s30] =	stream.strided.scatter [tilespmem:s19], [sflag:$0x5], $0x2000, s17, s30, $0x38;
	[tilespmem:$0x16400] =	vst v63  }
0x7b: {  	_ =	swait.ge [sflag:s5], $0x2000  }
0x7c: {  	[sflag:s5] =	ssyncset.done $0x0  }
0x7d: {  	[sflag:s5] =	ssyncadd.s32 $0xFFFFE000  }
0x7e: {  	_ =	swait.ge [sflag:s5], $0x2000  }
0x7f: {  	[sflag:s5] =	ssyncset.done $0x0  }
0x80: {  	s13 =	simm.s32 $0x700;
	[sflag:s5] =	ssyncadd.s32 $0xFFFFE000  }
0x81: {  	[tilespmem:s0], [sflag:$0x4] =	stream.indirect.gather [hbm4b:s3+s17], $0x40, s13, s17, $0xb8;
	[tilespmem:$0x16400] =	vst v63  }
0x82: {  	s14 =	simm.s32 $0x780  }
0x83: {  	[tilespmem:s20], [sflag:$0x4] =	stream.indirect.gather [hbm4b:s3+s17], $0x40, s14, s17, $0xb8;
	[tilespmem:$0x16400] =	vst v63  }
0x84: {  	_ =	swait.ge [sflag:s22], $0x2000  }
0x85: {  	[sflag:s22] =	ssyncset.done $0x0  }
0x86: {  	[sflag:s22] =	ssyncadd.s32 $0xFFFFE000  }
0x87: {  	_ =	swait.ge [sflag:s22], $0x2000  }
0x88: {  	s15 =	rddreg [dreg:$0x7];
	[sflag:s22] =	ssyncset.done $0x0  }
0x89: {  	s8 =	simm.s32 $0x1000;
	[sflag:s22] =	ssyncadd.s32 $0xFFFFE000;
	s4 =	sadd.s32 s9, s15  }
0x8a: {  	[hbm4b:s4+s30] =	stream.strided.scatter [tilespmem:s21], [sflag:$0x6], $0x2000, s17, s30, $0x38;
	[tilespmem:$0x16400] =	vst v63  }
0x8b: {  	s11 =	rddreg [dreg:$0x8];
	s15 =	smov.u32 s10;
	s4 =	smov.u32 s9  }
.LBB2_2:
0x8c: {  	s11 =	sadd.s32 s4, s11  }
0x8d: {  	[hbm4b:s11+s30] =	stream.strided.scatter [tilespmem:s23], [sflag:$0x6], $0x2000, s17, s30, $0x38;
	[tilespmem:$0x16400] =	vst v63  }
0x8e: {  	_ =	swait.ge [sflag:s24], $0x2000  }
0x8f: {  	[sflag:s24] =	ssyncset.done $0x0  }
0x90: {  	[sflag:s24] =	ssyncadd.s32 $0xFFFFE000  }
0x91: {  	s12 =	smov.u32 s8;
	_ =	swait.ge [sflag:s24], $0x2000  }
0x92: {  	s11 =	sshra.s32 s12, $0x2;
	[sflag:s24] =	ssyncset.done $0x0  }
0x93: {  	s12 =	sadd.s32 $0x400, s11;
	[sflag:s24] =	ssyncadd.s32 $0xFFFFE000  }
0x94: {  	[tilespmem:s18], [sflag:$0x1] =	stream.indirect.gather [hbm4b:s3+s17], $0x40, s12, s17, $0xb8;
	[tilespmem:$0x16400] =	vst v63  }
0x95: {  	s13 =	sadd.s32 $0x480, s11  }
0x96: {  	[tilespmem:s19], [sflag:$0x1] =	stream.indirect.gather [hbm4b:s3+s17], $0x40, s13, s17, $0xb8;
	[tilespmem:$0x16400] =	vst v63  }
0x97: {  	_ =	swait.ge [sflag:s26], $0x2000  }
0x98: {  	[sflag:s26] =	ssyncset.done $0x0  }
0x99: {  	[sflag:s26] =	ssyncadd.s32 $0xFFFFE000  }
0x9a: {  	_ =	swait.ge [sflag:s26], $0x2000  }
0x9b: {  	s4 =	sadd.s32 $0x4000, s4;
	s14 =	rddreg [dreg:$0x5];
	[sflag:s26] =	ssyncset.done $0x0  }
0x9c: {  	s13 =	rddreg [dreg:$0x3];
	[sflag:s26] =	ssyncadd.s32 $0xFFFFE000;
	s12 =	sadd.s32 s4, s14  }
0x9d: {  	[hbm4b:s12+s30] =	stream.strided.scatter [tilespmem:s25], [sflag:$0x7], $0x2000, s17, s30, $0x38;
	[tilespmem:$0x16400] =	vst v63  }
0x9e: {  	s12 =	sadd.s32 s4, s13  }
0x9f: {  	s13 =	sadd.s32 $0x2800, s12  }
0xa0: {  	[hbm4b:s13+s30] =	stream.strided.scatter [tilespmem:s28], [sflag:$0x7], $0x2000, s17, s30, $0x38;
	[tilespmem:$0x16400] =	vst v63  }
0xa1: {  	_ =	swait.ge [sflag:s31], $0x2000  }
0xa2: {  	[sflag:s31] =	ssyncset.done $0x0  }
0xa3: {  	[sflag:s31] =	ssyncadd.s32 $0xFFFFE000  }
0xa4: {  	_ =	swait.ge [sflag:s31], $0x2000  }
0xa5: {  	[sflag:s31] =	ssyncset.done $0x0  }
0xa6: {  	s13 =	sadd.s32 $0x500, s11;
	[sflag:s31] =	ssyncadd.s32 $0xFFFFE000  }
0xa7: {  	[tilespmem:s21], [sflag:$0x2] =	stream.indirect.gather [hbm4b:s3+s17], $0x40, s13, s17, $0xb8;
	[tilespmem:$0x16400] =	vst v63  }
0xa8: {  	s14 =	sadd.s32 $0x580, s11  }
0xa9: {  	[tilespmem:s23], [sflag:$0x2] =	stream.indirect.gather [hbm4b:s3+s17], $0x40, s14, s17, $0xb8;
	[tilespmem:$0x16400] =	vst v63  }
0xaa: {  	_ =	swait.ge [sflag:s1], $0x2000  }
0xab: {  	[sflag:s1] =	ssyncset.done $0x0  }
0xac: {  	[sflag:s1] =	ssyncadd.s32 $0xFFFFE000  }
0xad: {  	_ =	swait.ge [sflag:s1], $0x2000  }
0xae: {  	s14 =	rddreg [dreg:$0x4];
	[sflag:s1] =	ssyncset.done $0x0  }
0xaf: {  	[sflag:s1] =	ssyncadd.s32 $0xFFFFE000;
	s13 =	sadd.s32 s4, s14  }
0xb0: {  	[hbm4b:s13+s30] =	stream.strided.scatter [tilespmem:s0], [sflag:$0x8], $0x2000, s17, s30, $0x38;
	[tilespmem:$0x16400] =	vst v63  }
0xb1: {  	s12 =	sadd.s32 $0x3800, s12  }
0xb2: {  	[hbm4b:s12+s30] =	stream.strided.scatter [tilespmem:s20], [sflag:$0x8], $0x2000, s17, s30, $0x38;
	[tilespmem:$0x16400] =	vst v63  }
0xb3: {  	_ =	swait.ge [sflag:s2], $0x2000  }
0xb4: {  	[sflag:s2] =	ssyncset.done $0x0  }
0xb5: {  	[sflag:s2] =	ssyncadd.s32 $0xFFFFE000  }
0xb6: {  	_ =	swait.ge [sflag:s2], $0x2000  }
0xb7: {  	[sflag:s2] =	ssyncset.done $0x0  }
0xb8: {  	s13 =	sadd.s32 $0x600, s11;
	[sflag:s2] =	ssyncadd.s32 $0xFFFFE000  }
0xb9: {  	[tilespmem:s25], [sflag:$0x3] =	stream.indirect.gather [hbm4b:s3+s17], $0x40, s13, s17, $0xb8;
	[tilespmem:$0x16400] =	vst v63  }
0xba: {  	s14 =	sadd.s32 $0x680, s11  }
0xbb: {  	[tilespmem:s28], [sflag:$0x3] =	stream.indirect.gather [hbm4b:s3+s17], $0x40, s14, s17, $0xb8;
	[tilespmem:$0x16400] =	vst v63  }
0xbc: {  	_ =	swait.ge [sflag:s29], $0x2000  }
0xbd: {  	[sflag:s29] =	ssyncset.done $0x0  }
0xbe: {  	[sflag:s29] =	ssyncadd.s32 $0xFFFFE000  }
0xbf: {  	s15 =	sadd.s32 $0x20000, s15;
	_ =	swait.ge [sflag:s29], $0x2000  }
0xc0: {  	s13 =	sshrl.u32 s15, $0x3;
	[sflag:s29] =	ssyncset.done $0x0  }
0xc1: {  	s12 =	sadd.s32 s9, s13;
	s14 =	rddreg [dreg:$0x6];
	[sflag:s29] =	ssyncadd.s32 $0xFFFFE000  }
0xc2: {  	[hbm4b:s12+s30] =	stream.strided.scatter [tilespmem:s18], [sflag:$0x5], $0x2000, s17, s30, $0x38;
	[tilespmem:$0x16400] =	vst v63  }
0xc3: {  	s14 =	sadd.s32 s4, s14  }
0xc4: {  	[hbm4b:s14+s30] =	stream.strided.scatter [tilespmem:s19], [sflag:$0x5], $0x2000, s17, s30, $0x38;
	[tilespmem:$0x16400] =	vst v63  }
0xc5: {  	_ =	swait.ge [sflag:s5], $0x2000  }
0xc6: {  	[sflag:s5] =	ssyncset.done $0x0  }
0xc7: {  	[sflag:s5] =	ssyncadd.s32 $0xFFFFE000  }
0xc8: {  	_ =	swait.ge [sflag:s5], $0x2000  }
0xc9: {  	[sflag:s5] =	ssyncset.done $0x0  }
0xca: {  	s13 =	sadd.s32 $0x700, s11;
	[sflag:s5] =	ssyncadd.s32 $0xFFFFE000  }
0xcb: {  	[tilespmem:s0], [sflag:$0x4] =	stream.indirect.gather [hbm4b:s3+s17], $0x40, s13, s17, $0xb8;
	[tilespmem:$0x16400] =	vst v63  }
0xcc: {  	s11 =	sadd.s32 $0x780, s11  }
0xcd: {  	[tilespmem:s20], [sflag:$0x4] =	stream.indirect.gather [hbm4b:s3+s17], $0x40, s11, s17, $0xb8;
	[tilespmem:$0x16400] =	vst v63  }
0xce: {  	_ =	swait.ge [sflag:s22], $0x2000  }
0xcf: {  	p0 =	sne.s32 s8, $0x17000;
	[sflag:s22] =	ssyncset.done $0x0  }
.Ltmp0:
0xd0: {  	[sflag:s22] =	ssyncadd.s32 $0xFFFFE000;
	(pc) =	sbr.rel @p0 .LBB2_2-.Ltmp0, $4  }
0xd1: {  	_ =	swait.ge [sflag:s22], $0x2000  }
0xd2: {  	s8 =	sadd.s32 $0x1000, s8;
	s14 =	rddreg [dreg:$0x7];
	[sflag:s22] =	ssyncset.done $0x0  }
0xd3: {  	s11 =	rddreg [dreg:$0x8];
	[sflag:s22] =	ssyncadd.s32 $0xFFFFE000;
	s12 =	sadd.s32 s4, s14  }
0xd4: {  	[hbm4b:s12+s30] =	stream.strided.scatter [tilespmem:s21], [sflag:$0x6], $0x2000, s17, s30, $0x38;
	[tilespmem:$0x16400] =	vst v63  }
0xd5: {  	s4 =	sadd.s32 s4, s11  }
0xd6: {  	[hbm4b:s4+s30] =	stream.strided.scatter [tilespmem:s23], [sflag:$0x6], $0x2000, s17, s30, $0x38;
	[tilespmem:$0x16400] =	vst v63  }
0xd7: {  	_ =	swait.ge [sflag:s24], $0x2000  }
0xd8: {  	[sflag:s24] =	ssyncset.done $0x0  }
0xd9: {  	[sflag:s24] =	ssyncadd.s32 $0xFFFFE000  }
0xda: {  	_ =	swait.ge [sflag:s24], $0x2000  }
0xdb: {  	[sflag:s24] =	ssyncset.done $0x0  }
0xdc: {  	[sflag:s24] =	ssyncadd.s32 $0xFFFFE000  }
0xdd: {  	_ =	swait.ge [sflag:s26], $0x2000  }
0xde: {  	[sflag:s26] =	ssyncset.done $0x0  }
0xdf: {  	[sflag:s26] =	ssyncadd.s32 $0xFFFFE000  }
0xe0: {  	_ =	swait.ge [sflag:s26], $0x2000  }
0xe1: {  	[sflag:s26] =	ssyncset.done $0x0  }
0xe2: {  	s11 =	rddreg [dreg:$0xd];
	[sflag:s26] =	ssyncadd.s32 $0xFFFFE000  }
0xe3: {  	[hbm4b:s11+s30] =	stream.strided.scatter [tilespmem:s25], [sflag:$0x7], $0x2000, s17, s30, $0x38;
	[tilespmem:$0x16400] =	vst v63  }
0xe4: {  	s12 =	rddreg [dreg:$0xe]  }
0xe5: {  	[hbm4b:s12+s30] =	stream.strided.scatter [tilespmem:s28], [sflag:$0x7], $0x2000, s17, s30, $0x38;
	[tilespmem:$0x16400] =	vst v63  }
0xe6: {  	_ =	swait.ge [sflag:s31], $0x2000  }
0xe7: {  	[sflag:s31] =	ssyncset.done $0x0  }
0xe8: {  	[sflag:s31] =	ssyncadd.s32 $0xFFFFE000  }
0xe9: {  	_ =	swait.ge [sflag:s31], $0x2000  }
0xea: {  	[sflag:s31] =	ssyncset.done $0x0  }
0xeb: {  	[sflag:s31] =	ssyncadd.s32 $0xFFFFE000  }
0xec: {  	_ =	swait.ge [sflag:s1], $0x2000  }
0xed: {  	[sflag:s1] =	ssyncset.done $0x0  }
0xee: {  	[sflag:s1] =	ssyncadd.s32 $0xFFFFE000  }
0xef: {  	_ =	swait.ge [sflag:s1], $0x2000  }
0xf0: {  	[sflag:s1] =	ssyncset.done $0x0  }
0xf1: {  	s13 =	rddreg [dreg:$0xf];
	[sflag:s1] =	ssyncadd.s32 $0xFFFFE000  }
0xf2: {  	[hbm4b:s13+s30] =	stream.strided.scatter [tilespmem:s0], [sflag:$0x8], $0x2000, s17, s30, $0x38;
	[tilespmem:$0x16400] =	vst v63  }
0xf3: {  	s14 =	rddreg [dreg:$0x10]  }
0xf4: {  	[hbm4b:s14+s30] =	stream.strided.scatter [tilespmem:s20], [sflag:$0x8], $0x2000, s17, s30, $0x38;
	[tilespmem:$0x16400] =	vst v63  }
0xf5: {  	_ =	swait.ge [sflag:s2], $0x2000  }
0xf6: {  	[sflag:s2] =	ssyncset.done $0x0  }
0xf7: {  	[sflag:s2] =	ssyncadd.s32 $0xFFFFE000  }
0xf8: {  	_ =	swait.ge [sflag:s2], $0x2000  }
0xf9: {  	[sflag:s2] =	ssyncset.done $0x0  }
0xfa: {  	[sflag:s2] =	ssyncadd.s32 $0xFFFFE000  }
0xfb: {  	_ =	swait.ge [sflag:s5], $0x2000  }
0xfc: {  	[sflag:s5] =	ssyncset.done $0x0  }
0xfd: {  	[sflag:s5] =	ssyncadd.s32 $0xFFFFE000  }
0xfe: {  	_ =	swait.ge [sflag:s5], $0x2000  }
0xff: {  	s7 =	sadd.s32 $0x1, s7;
	s15 =	rddreg [dreg:$0x11]  }
0x100: {  	p0 =	sne.s32 s7, s15  }
.Ltmp1:
0x101: {  	_ = 	snop;
	(pc) =	sbr.rel @p0 .LBB2_1-.Ltmp1, $3  }
0x102: {  	_ =	sdelay $0x1  }
0x103: {  	[sflag:s5] =	ssyncset.done $0x0  }
0x104: {  	[sflag:s5] =	ssyncadd.s32 $0xFFFFE000  }
0x105: {  	_ =	sfence.sel $0x180000  }
0x106: {  	[bflag:$0x0] =	sbarrier.arrive $0xFFFF  }
0x107: {  	_ =	strace $0x90000047  }
0x108: {  	s0 =	stileid.u32;
	[bflag:$0x2] =	sbarrier.arrive $0xFFFF  }
0x109: {  	p0 =	sne.s32 s0, $0x0;
	s0 =	rddreg [dreg:$0x2]  }
0x10a: {  	s0 =	sadd.s32 @!p0 $0x100000, s0  }
0x10b: {  	[sflag:s0] =	ssyncadd.tile.s32 @!p0 $0x1;
	_ =	shalt  }
.Lfunc_end2:
_tile_overlayer_lowered:
.L_overlay_start_2:
0x10c: {  	(tag) =	ssettag $0x2  }
0x10d: {  	s0 =	rddreg [dreg:$0x0];
	s2 =	stileid.u32  }
0x10e: {  	s1 =	rddreg [dreg:$0x1];
	p0 =	sne.s32 s2, $0x0  }
0x10f: {  	s3 =	rddreg [dreg:$0x2];
	[bflag:$0x3] =	sbarrier.arrive $0xFFFF;
	s2 =	simm.s32 @!p0 $0x1C09  }
0x110: {  	[timem:s3], [sflag:s2] =	dma.local @!p0 [hbm:s0], s1  }
0x111: {  	s0 =	simm.s32 @!p0 $0x9  }
0x112: {  	_ =	swait.ge @!p0 [sflag:s0], s1  }
0x113: {  	s1 =	ssub.s32 @!p0 $0x0, s1;
	[sflag:s0] =	ssyncset.done @!p0 $0x0  }
0x114: {  	[sflag:s0] =	ssyncadd.s32 @!p0 s1  }
0x115: {  	[bflag:$0x3] =	sbarrier.arrive $0xFFFF  }
0x116: {  	_ =	shalt  }

// kernel: sparse-core-data-format-call.cloned.1.call-start
scs
called_computation_lowered:
.L_overlay_start_0:
0x0: {  	s2 =	sld [smem:$0x3FD9]  }
0x1: {  	s3 =	sld [smem:$0x3FFE];
	_ =	sdelay $0x1  }
0x2: {  	s1 =	srdreg.scid  }
0x3: {  	s0 =	sand.u32 $0x1, s1  }
0x4: {  	s18 =	sshll.u32 s0, $0xA;
	s2 =	sadd.s32 s3, s2  }
0x5: {  	s2 =	sadd.s32 s2, s18  }
0x6: {  	[smem:$0x3FC6] =	sst s2  }
0x7: {  	_ = 	snop  }
0x8: {  	s2 =	sld [smem:$0x3FD0];
	(tm) =	ssettm $0x1  }
0x9: {  	s19 =	sld [smem:$0x3FFB];
	_ =	sdelay $0x3  }
0xa: {  	_ =	strace s19  }
0xb: {  	s3 =	sld [smem:$0x3FFC];
	_ =	sdelay $0x3  }
0xc: {  	_ =	strace s3  }
0xd: {  	s3 =	sld [smem:$0x3FFD];
	_ =	sdelay $0x3  }
0xe: {  	_ =	strace s3  }
0xf: {  	_ =	strace $0x8FFFFFFF  }
0x10: {  	s20 =	sld [smem:$0x3FDB];
	_ =	sdelay $0x1  }
0x11: {  	s4 =	simm.s32 $_scs_section_size  }
0x12: {  	s5 =	simm.s32 $_size__tile_overlayer_lowered;
	s6 =	simm.s32 $_tile_overlayer_lowered  }
0x13: {  	s23 =	simm.s32 $0x1BFF;
	s22 =	sshll.u32 s6, $0x1;
	s3 =	sadd.s32 s4, s20  }
0x14: {  	s7 =	simm.s32 $0x0;
	s21 =	sshll.u32 s5, $0x1;
	s5 =	sadd.s32 s22, s3  }
0x15: {  	[timem:s7], [sflag:s23] =	dma.local [hbm:s5], s21  }
0x16: {  	_ =	swait.ge [sflag:s23], s21  }
0x17: {  	s4 =	ssub.s32 $0x0, s21;
	[sflag:s23] =	ssyncset.done $0x0  }
0x18: {  	[sflag:s23] =	ssyncadd.s32 s4;
	_ =	sdelay $0x1  }
0x19: {  	s24 =	simm.s32 $0x1B8B  }
0x1a: {  	_ =	swait.ge [sflag:s24], $0x1  }
0x1b: {  	[sflag:s24] =	ssyncset.done $0x0  }
0x1c: {  	s26 =	simm.s32 $0x1B8E;
	s25 =	sld [smem:$0x3FFE];
	[sflag:s24] =	ssyncadd.s32 $0xFFFFFFFF  }
0x1d: {  	s27 =	simm.s32 $execute0_lowered;
	[smem:$0x3FD2] =	sst s26  }
0x1e: {  	s5 =	sshll.u32 s27, $0x1;
	_ =	strace $0x80000049;
	[dreg:$0x1] =	wrdreg $0xFFFFFFFF  }
0x1f: {  	s28 =	simm.s32 $_size_execute0_lowered;
	s3 =	sadd.s32 s3, s5;
	[dreg:$0x0] =	wrdreg $0x0  }
0x20: {  	s5 =	sshll.u32 s28, $0x1;
	[dreg:$0x2] =	wrdreg s3  }
0x21: {  	[dreg:$0x3] =	wrdreg s5  }
0x22: {  	[dreg:$0x4] =	wrdreg $0xC0  }
0x23: {  	_ =	task [dreg:s7], $0x5FFFF  }
0x24: {  	[dreg:$0x1] =	wrdreg $0xFFFFFFFF  }
0x25: {  	[dreg:$0x0] =	wrdreg $0x60  }
0x26: {  	[dreg:$0x2] =	wrdreg s25  }
0x27: {  	[dreg:$0x3] =	wrdreg s2  }
0x28: {  	[dreg:$0x4] =	wrdreg $0x9  }
0x29: {  	_ =	task.clear_ibuf [dreg:s7], $0x5FFFF;
	_ =	strace $0x90000049  }
0x2a: {  	s29 =	simm.s32 $0x9;
	_ =	strace $0x8000004B  }
0x2b: {  	_ =	swait.ge [sflag:s29], $0x1  }
0x2c: {  	[sflag:s29] =	ssyncadd.s32 $0xFFFFFFFF  }
0x2d: {  	_ =	strace $0x9000004B  }
0x2e: {  	_ =	sfence  }
0x2f: {  	s30 =	sld [smem:$0x0];
	_ =	sdelay $0x2  }
0x30: {  	s31 =	sshll.u32 s1, $0xD;
	s1 =	sshrl.u32 s1, $0x2  }
0x31: {  	s3 =	sand.u32 $0x4000, s31;
	s1 =	sadd.s32 s1, s30  }
0x32: {  	s0 =	sor.u32 s3, s0;
	s1 =	sshll.u32 s1, $0x11  }
0x33: {  	s0 =	sor.u32 s1, s0  }
0x34: {  	s0 =	sadd.s32 $0x8F2B, s0  }
0x35: {  	[sflag:s0] =	ssyncadd.remote.s32 $0x1  }
0x36: {  	_ =	sfence.sel $0xFFFF  }
0x37: {  	[dreg:$0x0] =	wrdreg $0xFFFFFFFF;
	(pc) =	sbr.abs _section_cstart, $3  }
0x38: {  	[dreg:$0x1] =	wrdreg $0xFFFFFFFF  }
0x39: {  	_ =	task.clear_ibuf [dreg:s7], $0x2FFFF;
	_ =	strace $0x9FFFFFFF  }
0x3a: {  	(tm) =	ssettm $0x7FFFFFFF  }
0x3b: {  	_ =	shalt  }
tec
execute0_lowered:
.L_overlay_start_1:
0x0: {  	(tag) =	ssettag $0x1  }
0x1: {  	s0 =	srdreg.scid  }
0x2: {  	s1 =	sshll.u32 s0, $0x4  }
0x3: {  	s0 =	stileid.u32;
	s1 =	sand.u32 $0x10, s1  }
0x4: {  	s1 =	sor.u32 s0, s1  }
0x5: {  	s6 =	rddreg [dreg:$0x0];
	s4 =	simm.s32 $0x1;
	s2 =	sshll.u32 s1, $0x7  }
0x6: {  	s7 =	simm.s32 $0x2;
	s12 =	simm.s32 $0x0;
	s1 =	ssub.s32 $0x1000, s2  }
0x7: {  	s8 =	simm.s32 $0x8000;
	s13 =	simm.s32 $0x0;
	s3 =	sand.u32 $0xF80, s1  }
0x8: {  	s9 =	simm.s32 $0x0;
	s5 =	sshrl.u32 s1, $0xC;
	p0 =	sne.s32 s3, $0x0  }
.Ltmp0:
0x9: {  	s1 =	rddreg [dreg:$0x2];
	s4 =	simm.s32 @!p0 $0x0;
	(pc) =	sbr.rel .LBB1_1-.Ltmp0, $4  }
0xa: {  	s11 =	simm.s32 $0x0;
	s3 =	rddreg [dreg:$0x1];
	s5 =	sadd.s32 s4, s5  }
0xb: {  	_ =	strace $0x8000004A;
	s4 =	simm.s32 $0x1;
	s5 =	smul.u32 $0xC8, s5  }
0xc: {  	s6 =	sadd.s32 $0xA00, s6;
	s10 =	smov.u32 s2;
	[sflag:s4] =	ssyncpa.u1 $0x0  }
0xd: {  	p0 =	por $0x0, $0x0;
	[sflag:s7] =	ssyncpa.u1 $0x0;
	s7 =	sor.u32 $0x1, s5  }
.LBB1_4:
0xe: {  	s16 =	sshll.u32 s13, $0x3;
	s17 =	sand.u32 $0x78, s13  }
0xf: {  	s30 =	sand.u32 $0x7E00, s13;
	s12 =	sshll.u32 s12, $0xF;
	s16 =	sand.u32 $0xC00, s16  }
0x10: {  	[tilespmem:s15+$0x810 ss:$0x81] =	vst.msk $0xffff, v2;
	s31 =	sand.u32 $0x7, s13;
	s16 =	sor.u32 s17, s16;
	s17 =	sadd.s32 s3, s30  }
0x11: {  	[tilespmem:s15+$0x1020 ss:$0x81] =	vst.msk $0xffff, v0;
	s13 =	sshll.u32 s31, $0x12;
	s12 =	sadd.s32 s12, s17;
	s16 =	sshrl.u32 s16, $0x3  }
0x12: {  	[tilespmem:s15+$0x0 ss:$0x81] =	vst.msk $0xffff, v1;
	s13 =	sor.u32 $0x400, s13;
	s12 =	sadd.s32 s16, s12  }
0x13: {  	[hbm4b:s12+s13] =	stream.strided.scatter [tilespmem:s14], [sflag:$0x2], $0x2000, s8, s13, $0x20;
	[tilespmem:$0x8080] =	vst v63  }
.LBB1_5:
0x14: {  	s14 =	sadd.s32 $0x1, s9  }
0x15: {  	s12 =	sadd.s32 $0x1000, s10;
	s16 =	smov.u32 s10;
	p2 =	sgt.s32 s14, $0xC7  }
0x16: {  	s16 =	smov.u32 @p2 s12  }
0x17: {  	s14 =	simm.s32 @p2 $0x0;
	p2 =	sgt.s32 s16, $0xFFF  }
0x18: {  	s16 =	smov.u32 @p2 s2;
	p2 =	sne.s32 s11, s7  }
.Ltmp1:
0x19: {  	p1 =	slt.u32 s11, $0x2;
	(pc) =	sbr.rel @!p2 .LBB1_6-.Ltmp1, $4  }
0x1a: {  	s15 =	simm.s32 @!p1 $0x2  }
0x1b: {  	s13 =	smov.u32 s10;
	p0 =	por !p0, !p0;
	_ =	swait.ge @!p1 [sflag:s15], $0x2000  }
0x1c: {  	s12 =	smov.u32 s9;
	[sflag:s15] =	ssyncset.done @!p1 $0x0;
	s9 =	smov.u32 s14  }
0x1d: {  	s11 =	sadd.s32 $0x1, s11;
	[sflag:s15] =	ssyncadd.s32 @!p1 $0xFFFFE000;
	s10 =	smov.u32 s16  }
.LBB1_1:
0x1e: {  	p1 =	sge.u32 s11, s5  }
0x1f: {  	s14 =	sand.u32 @!p1 $0x1FFFFFF, s9  }
0x20: {  	s15 =	smulhi.u32 @!p1 $0x147AE15, s14;
	_ =	sdelay $0x1  }
0x21: {  	s15 =	smul.u32 @!p1 $0xC8, s15  }
0x22: {  	s16 =	sxor.u32 @!p1 $0xFFFFFFFF, s11;
	s17 =	smul.u32 @!p1 $0xC80, s10  }
0x23: {  	s31 =	sadd.s32 $0xFFFFFFFF, s11;
	s16 =	sshll.u32 @!p1 s16, $0xD;
	s14 =	ssub.s32 @!p1 s14, s15  }
0x24: {  	s15 =	sand.u32 @!p1 $0x2000, s16;
	s16 =	sadd.s32 @!p1 s6, s17;
	s14 =	sshll.u32 @!p1 s14, $0x4  }
0x25: {  	s17 =	simm.s32 @!p1 $0x6400;
	s14 =	sadd.s32 @!p1 s14, s16;
	s16 =	simm.s32 @!p1 $0x40  }
0x26: {  	[tilespmem:s15], [sflag:$0x1] =	stream.strided.gather @!p1 [hbm4b:s14+s16], $0x2000, s17, s16, $0x38;
	[tilespmem:$0x8080] =	vst v63  }
0x27: {  	p1 =	sge.u32 s31, s5  }
.Ltmp2:
0x28: {  	_ = 	snop;
	(pc) =	sbr.rel @p1 .LBB1_5-.Ltmp2, $1  }
0x29: {  	_ =	sdelay $0x3  }
0x2a: {  	s14 =	simm.s32 $0x1  }
0x2b: {  	_ =	swait.ge [sflag:s4], $0x2000;
	s14 =	simm.s32 @!p0 $0x0  }
0x2c: {  	[sflag:s4] =	ssyncset.done $0x0;
	s15 =	sshll.u32 s14, $0xD  }
0x2d: {  	[sflag:s4] =	ssyncadd.s32 $0xFFFFE000;
	s18 =	sor.u32 $0x20, s15  }
0x2e: {  	s14 =	smul.u32 $0x8100, s14;
	v3 =	vld [tilespmem:s18+$0x10]  }
0x2f: {  	s30 =	sand.u32 $0x1, s11;
	v2 =	vld [tilespmem:s18+$0xFFFFFFF0]  }
0x30: {  	s15 =	smul.u32 $0x8100, s30;
	s14 =	sshrl.u32 s14, $0x2;
	v0 =	vld [tilespmem:s18+$0x0]  }
0x31: {  	v1 =	vld [tilespmem:s18+$0xFFFFFFE0];
	s16 =	sor.u32 $0x4000, s14  }
0x32: {  	s31 =	sshrl.u32 s15, $0x2;
	s15 =	sadd.s32 $0x0, s16  }
0x33: {  	s17 =	simm.s32 $0x4;
	s18 =	sadd.s32 $0x40, s18;
	s14 =	sor.u32 $0x4000, s31;
	[tilespmem:s15+$0x1830 ss:$0x81] =	vst.msk $0xffff, v3  }
.LBB1_3:
0x34: {  	v3 =	vld [tilespmem:s18+$0x10];
	p1 =	sne.s32 s17, $0x1FC;
	[tilespmem:s15+$0x810 ss:$0x81] =	vst.msk $0xffff, v2;
	s19 =	smov.u32 s17;
	s17 =	sadd.s32 $0x4, s17  }
.Ltmp3:
0x35: {  	v2 =	vld [tilespmem:s18+$0xFFFFFFF0];
	[tilespmem:s15+$0x1020 ss:$0x81] =	vst.msk $0xffff, v0;
	(pc) =	sbr.rel @p1 .LBB1_3-.Ltmp3, $4  }
0x36: {  	v0 =	vld [tilespmem:s18+$0x0];
	[tilespmem:s15+$0x0 ss:$0x81] =	vst.msk $0xffff, v1  }
0x37: {  	s15 =	sshra.s32 s19, $0x2;
	v1 =	vld [tilespmem:s18+$0xFFFFFFE0]  }
0x38: {  	s15 =	sadd.s32 s15, s16  }
0x39: {  	s18 =	sadd.s32 $0x40, s18;
	[tilespmem:s15+$0x1830 ss:$0x81] =	vst.msk $0xffff, v3  }
.Ltmp4:
0x3a: {  	_ = 	snop;
	(pc) =	sbr.rel .LBB1_4-.Ltmp4, $1  }
0x3b: {  	_ =	sdelay $0x3  }
.LBB1_6:
0x3c: {  	_ =	sfence.sel $0x180000  }
0x3d: {  	s2 =	simm.s32 $0x1;
	[bflag:$0x0] =	sbarrier.arrive $0xFFFF  }
0x3e: {  	s31 =	simm.s32 $0x2;
	[sflag:s2] =	ssyncpa.u1 $0x1  }
0x3f: {  	[sflag:s31] =	ssyncpa.u1 $0x1  }
0x40: {  	p0 =	sne.s32 s0, $0x0;
	_ =	strace $0x9000004A  }
0x41: {  	s0 =	sadd.s32 @!p0 $0x100000, s1;
	[bflag:$0x2] =	sbarrier.arrive $0xFFFF  }
0x42: {  	[sflag:s0] =	ssyncadd.tile.s32 @!p0 $0x1;
	_ =	shalt  }
.Lfunc_end1:
_tile_overlayer_lowered:
.L_overlay_start_2:
0x43: {  	(tag) =	ssettag $0x2  }
0x44: {  	s0 =	rddreg [dreg:$0x0];
	s2 =	stileid.u32  }
0x45: {  	s1 =	rddreg [dreg:$0x1];
	p0 =	sne.s32 s2, $0x0  }
0x46: {  	s3 =	rddreg [dreg:$0x2];
	[bflag:$0x3] =	sbarrier.arrive $0xFFFF;
	s2 =	simm.s32 @!p0 $0x1C01  }
0x47: {  	[timem:s3], [sflag:s2] =	dma.local @!p0 [hbm:s0], s1  }
0x48: {  	s0 =	simm.s32 @!p0 $0x1  }
0x49: {  	_ =	swait.ge @!p0 [sflag:s0], s1  }
0x4a: {  	s1 =	ssub.s32 @!p0 $0x0, s1;
	[sflag:s0] =	ssyncset.done @!p0 $0x0  }
0x4b: {  	[sflag:s0] =	ssyncadd.s32 @!p0 s1  }
0x4c: {  	[bflag:$0x3] =	sbarrier.arrive $0xFFFF  }
0x4d: {  	_ =	shalt  }

</sc_bundles>
